<compile_context>
chip_gen: v7x
topology: tpu7x:2x2x1
jax: 0.10.2.dev20260603
libtpu: 0.0.44.dev20260713+nightly
codegen_flags: <defaults>
</compile_context>

<pallas_src>
import functools

import jax
import jax.numpy as jnp
from jax import lax
from jax.experimental import pallas as pl
from jax.experimental.pallas import tpu as pltpu
from jax.experimental.pallas import tpu_sc as plsc

NC = 2
NS = 16
NW = NC * NS
CH = 128

def _sc_mesh():
  return plsc.VectorSubcoreMesh(
      core_axis_name="c", subcore_axis_name="s", num_cores=NC, num_subcores=NS
  )


def _make_deg_kernel(npad, nchunk, tslice):
  @functools.partial(
      pl.kernel,
      out_type=jax.ShapeDtypeStruct((NC * npad,), jnp.float32),
      mesh=_sc_mesh(),
      scratch_types=[
          pltpu.VMEM_SHARED((npad,), jnp.float32),
          pltpu.VMEM((nchunk, CH), jnp.int32),
          pltpu.VMEM((nchunk, CH), jnp.float32),
          pltpu.VMEM((tslice,), jnp.float32),
      ],
  )
  def deg_kernel(dst_hbm, w_hbm, out_hbm, deg_sh, didx, wv, zb):
    c = lax.axis_index("c")
    t = lax.axis_index("s")
    wid = c * NS + t

    def zf(k, _):
      zb[pl.ds(k * 16, 16)] = jnp.zeros((16,), jnp.float32)
      return 0

    lax.fori_loop(0, tslice // 16, zf, 0)
    pltpu.sync_copy(zb, deg_sh.at[pl.ds(t * tslice, tslice)])
    pltpu.sync_copy(dst_hbm.at[wid], didx)
    pltpu.sync_copy(w_hbm.at[wid], wv)
    plsc.subcore_barrier()

    def body(i, _):
      pltpu.sync_copy(wv.at[i], deg_sh.at[didx.at[i]], add=True)
      return 0

    lax.fori_loop(0, nchunk, body, 0)
    plsc.subcore_barrier()
    pltpu.sync_copy(deg_sh.at[pl.ds(t * tslice, tslice)], zb)
    pltpu.sync_copy(zb, out_hbm.at[pl.ds(c * npad + t * tslice, tslice)])

  return deg_kernel


def _make_agg_kernel(npad, nchunk, tslice, d):
  @functools.partial(
      pl.kernel,
      out_type=jax.ShapeDtypeStruct((NC * npad, d), jnp.float32),
      mesh=_sc_mesh(),
      scratch_types=[
          pltpu.VMEM_SHARED((npad, d), jnp.float32),
          pltpu.VMEM((CH,), jnp.int32),
          pltpu.VMEM((1, CH), jnp.int32),
          pltpu.VMEM((CH,), jnp.float32),
          pltpu.VMEM((CH, d), jnp.float32),
          pltpu.SemaphoreType.DMA,
      ],
  )
  def agg_kernel(src_hbm, dst_hbm, w_hbm, y_hbm, zeros_hbm, out_hbm,
                 acc_sh, sidx, didx, wrv, rows, gsem):
    c = lax.axis_index("c")
    t = lax.axis_index("s")
    wid = c * NS + t

    pltpu.sync_copy(zeros_hbm, rows)
    nfull = tslice // CH
    rem = tslice % CH

    def zrb(j, _):
      pltpu.sync_copy(rows, acc_sh.at[pl.ds(t * tslice + j * CH, CH)])
      return 0

    lax.fori_loop(0, nfull, zrb, 0)
    if rem:
      pltpu.sync_copy(rows.at[pl.ds(0, rem)],
                      acc_sh.at[pl.ds(t * tslice + nfull * CH, rem)])
    plsc.subcore_barrier()

    def scale(rows_ref, wref):
      def sg(g, _):
        w16 = wref[pl.ds(g * 16, 16)]

        def sl(l, _):
          e = g * 16 + l
          s = w16.at[jnp.full((16,), l, jnp.int32)].get(
              mode="promise_in_bounds")
          for j in range(d // 16):
            rows_ref[e, pl.ds(j * 16, 16)] = (
                rows_ref[e, pl.ds(j * 16, 16)] * s)
          return 0

        lax.fori_loop(0, 16, sl, 0)
        return 0

      lax.fori_loop(0, CH // 16, sg, 0)

    def body(i, _):
      pltpu.sync_copy(src_hbm.at[wid, i], sidx)
      pltpu.async_copy(y_hbm.at[sidx], rows, gsem)
      pltpu.sync_copy(dst_hbm.at[wid, pl.ds(i, 1)], didx)
      pltpu.sync_copy(w_hbm.at[wid, i], wrv)
      pltpu.make_async_copy(y_hbm.at[sidx], rows, gsem).wait()
      scale(rows, wrv)
      pltpu.sync_copy(rows, acc_sh.at[didx.at[0]], add=True)
      return 0

    lax.fori_loop(0, nchunk, body, 0)
    plsc.subcore_barrier()

    def outb(j, _):
      base = t * tslice + j * CH
      pltpu.sync_copy(acc_sh.at[pl.ds(base, CH)], rows)
      pltpu.sync_copy(rows, out_hbm.at[pl.ds(c * npad + base, CH)])
      return 0

    lax.fori_loop(0, nfull, outb, 0)
    if rem:
      base = t * tslice + nfull * CH
      pltpu.sync_copy(acc_sh.at[pl.ds(base, rem)], rows.at[pl.ds(0, rem)])
      pltpu.sync_copy(rows.at[pl.ds(0, rem)],
                      out_hbm.at[pl.ds(c * npad + base, rem)])

  return agg_kernel


def _y_body(pdegT_ref, x_ref, y_ref):
  pd = pdegT_ref[...]
  deg = 1.0 + pd[:, 0:1] + pd[:, 1:2]
  dinv = jnp.where(deg > 0, lax.rsqrt(deg), 0.0)
  y_ref[...] = x_ref[...] * dinv


def _mlp_body(pdegT_ref, acc_ref, y_ref, wg_ref, bg_ref, w1_ref, b1_ref,
              w2_ref, b2_ref, out_ref):
  pd = pdegT_ref[...]
  deg = 1.0 + pd[:, 0:1] + pd[:, 1:2]
  dinv = jnp.where(deg > 0, lax.rsqrt(deg), 0.0)
  acc = acc_ref[...]
  agg = (acc[0] + acc[1] + y_ref[...]) * dinv
  dn = (((1,), (1,)), ((), ()))
  h = lax.dot_general(agg, wg_ref[...], dn,
                      preferred_element_type=jnp.float32) + bg_ref[...]
  h = h * (1.0 / (1.0 + jnp.exp(-h)))
  z = lax.dot_general(h, w1_ref[...], dn,
                      preferred_element_type=jnp.float32) + b1_ref[...]
  z = jnp.where(z > 0, z, jnp.exp(z) - 1.0)
  hl = lax.dot_general(z, w2_ref[...], dn,
                       preferred_element_type=jnp.float32) + b2_ref[...]
  m = jnp.max(hl, axis=1, keepdims=True)
  ex = jnp.exp(hl - m)
  out_ref[...] = ex / jnp.sum(ex, axis=1, keepdims=True)


def kernel(x, edge_index, edge_attr, A, Wg, bg, W1, b1, W2, b2):
  n, d = x.shape
  e = edge_index.shape[1]
  h = Wg.shape[0]
  mlp = W1.shape[0]
  k = W2.shape[0]

  tslice = -(-n // (NS * 8)) * 8
  npad = tslice * NS
  epw = -(-e // (NW * CH)) * CH
  nchunk = epw // CH
  epad = epw * NW

  src = edge_index[0]
  dst = edge_index[1]
  ne_pad = epad - e
  pad_idx = jnp.arange(ne_pad, dtype=jnp.int32) % n
  src_p = jnp.concatenate([src, pad_idx])
  dst_p = jnp.concatenate([dst, pad_idx])
  w_p = jnp.concatenate([edge_attr, jnp.zeros((ne_pad,), jnp.float32)])
  src3 = src_p.reshape(NW, nchunk, CH)
  dst3 = dst_p.reshape(NW, nchunk, CH)
  w3 = w_p.reshape(NW, nchunk, CH)
  zeros_rows = jnp.zeros((CH, d), jnp.float32)

  pdeg = _make_deg_kernel(npad, nchunk, tslice)(dst3, w3)
  pdegT = pdeg.reshape(NC, npad).T

  rb = 1000
  nb = n // rb
  y = pl.pallas_call(
      _y_body,
      grid=(nb,),
      in_specs=[
          pl.BlockSpec((rb, NC), lambda i: (i, 0)),
          pl.BlockSpec((rb, d), lambda i: (i, 0)),
      ],
      out_specs=pl.BlockSpec((rb, d), lambda i: (i, 0)),
      out_shape=jax.ShapeDtypeStruct((n, d), jnp.float32),
  )(pdegT, x)

  accs = _make_agg_kernel(npad, nchunk, tslice, d)(
      src3, dst3, w3, y, zeros_rows).reshape(NC, npad, d)

  s = pl.pallas_call(
      _mlp_body,
      grid=(nb,),
      in_specs=[
          pl.BlockSpec((rb, NC), lambda i: (i, 0)),
          pl.BlockSpec((NC, rb, d), lambda i: (0, i, 0)),
          pl.BlockSpec((rb, d), lambda i: (i, 0)),
          pl.BlockSpec((h, d), lambda i: (0, 0)),
          pl.BlockSpec((1, h), lambda i: (0, 0)),
          pl.BlockSpec((mlp, h), lambda i: (0, 0)),
          pl.BlockSpec((1, mlp), lambda i: (0, 0)),
          pl.BlockSpec((k, mlp), lambda i: (0, 0)),
          pl.BlockSpec((1, k), lambda i: (0, 0)),
      ],
      out_specs=pl.BlockSpec((rb, k), lambda i: (i, 0)),
      out_shape=jax.ShapeDtypeStruct((n, k), jnp.float32),
  )(pdegT, accs, y, Wg, bg.reshape(1, h), W1, b1.reshape(1, mlp),
    W2, b2.reshape(1, k))

  return (A, s)

# --- scband reference (transcript-rebuilt; emitter-appended) ---
"""Pipeline reference for scband-gnnpool-20452634263687 (READ-ONLY COPY).

The authoritative reference and input builder live on the scoring server;
editing this copy changes nothing except your own understanding.
"""

import jax, jax.numpy as jnp
import numpy as np

N = 10000
E = 320000
D = 128
H = 256
MLP = 128
K = 32

def setup_inputs(seed: int = 0) -> dict:
    key = jax.random.key(seed)
    ks = jax.random.split(key, 12)
    x = jax.random.normal(ks[0], (N, D), dtype=jnp.float32)
    edge_index = jax.random.randint(ks[1], (2, E), 0, N, dtype=jnp.int32)
    edge_attr = jax.random.uniform(ks[2], (E,), dtype=jnp.float32)
    A = jax.random.uniform(ks[3], (N, N), dtype=jnp.float32)
    # GCNConv layer params (lin has no bias in PyG GCNConv; bias added after aggregation)
    Wg = jax.random.normal(ks[4], (H, D), dtype=jnp.float32) * 0.05
    bg = jnp.zeros((H,), dtype=jnp.float32)
    # MLP: Linear(H, MLP) -> ELU -> Linear(MLP, K)
    W1 = jax.random.normal(ks[5], (MLP, H), dtype=jnp.float32) * 0.05
    b1 = jnp.zeros((MLP,), dtype=jnp.float32)
    W2 = jax.random.normal(ks[6], (K, MLP), dtype=jnp.float32) * 0.05
    b2 = jnp.zeros((K,), dtype=jnp.float32)
    return {"x": x, "edge_index": edge_index, "edge_attr": edge_attr, "A": A,
            "Wg": Wg, "bg": bg, "W1": W1, "b1": b1, "W2": W2, "b2": b2}

def _gcn_conv(x, edge_index, edge_weight, Wg, bg):
    n = x.shape[0]
    src = edge_index[0]
    dst = edge_index[1]
    loop = jnp.arange(n, dtype=src.dtype)
    src_f = jnp.concatenate([src, loop])
    dst_f = jnp.concatenate([dst, loop])
    w_f = jnp.concatenate([edge_weight, jnp.ones((n,), dtype=x.dtype)])
    # symmetric gcn normalization: deg computed on destination (col)
    deg = jnp.zeros((n,), dtype=x.dtype).at[dst_f].add(w_f)
    dinv = jnp.where(deg > 0, jax.lax.rsqrt(deg), 0.0)
    norm = dinv[src_f] * w_f * dinv[dst_f]
    h = x @ Wg.T
    msg = norm[:, None] * jnp.take(h, src_f, axis=0)
    out = jnp.zeros((n, h.shape[1]), dtype=x.dtype).at[dst_f].add(msg)
    return out + bg

def reference(x, edge_index, edge_attr, A, Wg, bg, W1, b1, W2, b2):
    # GNNpool forward, activ='relu' branch (eval mode: dropout is identity)
    # convs: single-layer PyG GCN (act not applied on final layer of BasicGNN)
    h = _gcn_conv(x, edge_index, edge_attr, Wg, bg)
    h = jax.nn.silu(h)
    h = jax.nn.elu(h @ W1.T + b1)
    Hl = h @ W2.T + b2
    S = jax.nn.softmax(Hl, axis=1)
    return (A, S)

if __name__ == "__main__":
    import jax
    _d = setup_inputs()
    print(jax.jit(kernel)(*tuple(_d.values())))

</pallas_src>

<mosaic_0001>
#map = affine_map<(d0, d1) -> (0, 0, 0)>
#map1 = affine_map<(d0, d1) -> (0)>
module attributes {stable_mosaic.version = 14 : i64} {
  func.func @deg_kernel(%arg0: i32, %arg1: i32, %arg2: memref<32x79x128xi32, #tpu.memory_space<hbm>>, %arg3: memref<32x79x128xf32, #tpu.memory_space<hbm>>, %arg4: memref<20224xf32, #tpu.memory_space<hbm>>, %arg5: memref<10112xf32, #tpu.memory_space<vmem_shared>>, %arg6: memref<79x128xi32, #tpu.memory_space<vmem>>, %arg7: memref<79x128xf32, #tpu.memory_space<vmem>>, %arg8: memref<632xf32, #tpu.memory_space<vmem>>) attributes {dimension_semantics = [#tpu.dimension_semantics<core_parallel>, #tpu.dimension_semantics<subcore_parallel>], iteration_bounds = array<i64: 2, 16>, scalar_prefetch = 0 : i64, scratch_operands = 4 : i64, tpu.core_type = #tpu.core_type<sc_vector_subcore>, window_params = [{transform_indices = #map}, {transform_indices = #map}, {transform_indices = #map1}]} {
    %mul3A = arith.constant 16 : i32
    %mul3A_0 = arith.muli %arg0, %mul3A : i32
    %add3A = arith.addi %mul3A_0, %arg1 : i32
    %scan3A = arith.constant 0 : i32
    %scan3A_1 = arith.constant 0 : i32
    %scan3A_2 = arith.constant 39 : i32
    %scan3A_3 = arith.addi %scan3A_1, %scan3A_2 : i32
    %scan3A_4 = arith.constant 1 : i32
    %scan3A_5 = scf.for %scan3A_24 = %scan3A_1 to %scan3A_3 step %scan3A_4 iter_args(%scan3A_25 = %scan3A) -> (i32)  : i32 {
      %broadcast_in_dim3A = arith.constant 0.000000e+00 : f32
      %broadcast_in_dim3A_26 = vector.broadcast %broadcast_in_dim3A : f32 to vector<16xf32>
      %mul3A_27 = arith.constant 16 : i32
      %mul3A_28 = arith.muli %scan3A_24, %mul3A_27 : i32
      %swap3A = arith.index_cast %mul3A_28 : i32 to index
      %swap3A_29 = tpu.vector_load %arg8[%swap3A] {strides = array<i32>} : memref<632xf32, #tpu.memory_space<vmem>>, vector<16xf32>,
      %swap3A_30 = vector.shape_cast %swap3A_29 : vector<16xf32> to vector<16xf32>
      %swap3A_31 = vector.shape_cast %broadcast_in_dim3A_26 : vector<16xf32> to vector<16xf32>
      tpu.vector_store %arg8[%swap3A], %swap3A_31 {strides = array<i32>} : memref<632xf32, #tpu.memory_space<vmem>>, vector<16xf32>,
      %scan3A_32 = arith.constant 0 : i32
      scf.yield %scan3A_32 : i32
    }
    %scan3A_6 = arith.constant 39 : i32
    %mul3A_7 = arith.constant 632 : i32
    %mul3A_8 = arith.muli %arg1, %mul3A_7 : i32
    "tpu.region"() ({
      %run_scoped3A = tpu.sem_alloc : memref<!tpu.dma_semaphore, #tpu.memory_space<semaphore_mem>>
      %dma_start3A = tpu.memref_slice %arg5[%mul3A_8] : memref<10112xf32, #tpu.memory_space<vmem_shared>> -> memref<632xf32, #tpu.memory_space<vmem_shared>>
      %dma_start3A_24 = tpu.memref_slice %arg5[%mul3A_8] : memref<10112xf32, #tpu.memory_space<vmem_shared>> -> memref<632xf32, #tpu.memory_space<vmem_shared>>
      tpu.enqueue_dma source(%arg8 : memref<632xf32, #tpu.memory_space<vmem>>) target(%dma_start3A_24 : memref<632xf32, #tpu.memory_space<vmem_shared>>) target_semaphore(%run_scoped3A : memref<!tpu.dma_semaphore, #tpu.memory_space<semaphore_mem>>)
      %dma_wait3A = tpu.memref_slice %arg5[%mul3A_8] : memref<10112xf32, #tpu.memory_space<vmem_shared>> -> memref<632xf32, #tpu.memory_space<vmem_shared>>
      %dma_wait3A_25 = tpu.memref_slice %arg5[%mul3A_8] : memref<10112xf32, #tpu.memory_space<vmem_shared>> -> memref<632xf32, #tpu.memory_space<vmem_shared>>
      tpu.wait_dma2 semaphore(%run_scoped3A : memref<!tpu.dma_semaphore, #tpu.memory_space<semaphore_mem>>) src(%arg8 : memref<632xf32, #tpu.memory_space<vmem>>) dst(%dma_wait3A_25 : memref<632xf32, #tpu.memory_space<vmem_shared>>)
      tpu.yield
    }) : () -> ()
    "tpu.region"() ({
      %run_scoped3A = tpu.sem_alloc : memref<!tpu.dma_semaphore, #tpu.memory_space<semaphore_mem>>
      %dma_start3A = arith.constant 0 : i32
      %dma_start3A_24 = arith.constant 0 : i32
      %dma_start3A_25 = tpu.memref_slice %arg2[%add3A, %dma_start3A, %dma_start3A_24] : memref<32x79x128xi32, #tpu.memory_space<hbm>> -> memref<1x79x128xi32, #tpu.memory_space<hbm>>
      %dma_start3A_26 = tpu.memref_squeeze %dma_start3A_25 : memref<1x79x128xi32, #tpu.memory_space<hbm>> -> memref<79x128xi32, #tpu.memory_space<hbm>>
      %dma_start3A_27 = arith.constant 0 : i32
      %dma_start3A_28 = arith.constant 0 : i32
      %dma_start3A_29 = tpu.memref_slice %arg2[%add3A, %dma_start3A_27, %dma_start3A_28] : memref<32x79x128xi32, #tpu.memory_space<hbm>> -> memref<1x79x128xi32, #tpu.memory_space<hbm>>
      %dma_start3A_30 = tpu.memref_squeeze %dma_start3A_29 : memref<1x79x128xi32, #tpu.memory_space<hbm>> -> memref<79x128xi32, #tpu.memory_space<hbm>>
      tpu.enqueue_dma source(%dma_start3A_30 : memref<79x128xi32, #tpu.memory_space<hbm>>) target(%arg6 : memref<79x128xi32, #tpu.memory_space<vmem>>) target_semaphore(%run_scoped3A : memref<!tpu.dma_semaphore, #tpu.memory_space<semaphore_mem>>)
      %dma_wait3A = arith.constant 0 : i32
      %dma_wait3A_31 = arith.constant 0 : i32
      %dma_wait3A_32 = tpu.memref_slice %arg2[%add3A, %dma_wait3A, %dma_wait3A_31] : memref<32x79x128xi32, #tpu.memory_space<hbm>> -> memref<1x79x128xi32, #tpu.memory_space<hbm>>
      %dma_wait3A_33 = tpu.memref_squeeze %dma_wait3A_32 : memref<1x79x128xi32, #tpu.memory_space<hbm>> -> memref<79x128xi32, #tpu.memory_space<hbm>>
      %dma_wait3A_34 = arith.constant 0 : i32
      %dma_wait3A_35 = arith.constant 0 : i32
      %dma_wait3A_36 = tpu.memref_slice %arg2[%add3A, %dma_wait3A_34, %dma_wait3A_35] : memref<32x79x128xi32, #tpu.memory_space<hbm>> -> memref<1x79x128xi32, #tpu.memory_space<hbm>>
      %dma_wait3A_37 = tpu.memref_squeeze %dma_wait3A_36 : memref<1x79x128xi32, #tpu.memory_space<hbm>> -> memref<79x128xi32, #tpu.memory_space<hbm>>
      tpu.wait_dma2 semaphore(%run_scoped3A : memref<!tpu.dma_semaphore, #tpu.memory_space<semaphore_mem>>) src(%dma_wait3A_37 : memref<79x128xi32, #tpu.memory_space<hbm>>) dst(%arg6 : memref<79x128xi32, #tpu.memory_space<vmem>>)
      tpu.yield
    }) : () -> ()
    "tpu.region"() ({
      %run_scoped3A = tpu.sem_alloc : memref<!tpu.dma_semaphore, #tpu.memory_space<semaphore_mem>>
      %dma_start3A = arith.constant 0 : i32
      %dma_start3A_24 = arith.constant 0 : i32
      %dma_start3A_25 = tpu.memref_slice %arg3[%add3A, %dma_start3A, %dma_start3A_24] : memref<32x79x128xf32, #tpu.memory_space<hbm>> -> memref<1x79x128xf32, #tpu.memory_space<hbm>>
      %dma_start3A_26 = tpu.memref_squeeze %dma_start3A_25 : memref<1x79x128xf32, #tpu.memory_space<hbm>> -> memref<79x128xf32, #tpu.memory_space<hbm>>
      %dma_start3A_27 = arith.constant 0 : i32
      %dma_start3A_28 = arith.constant 0 : i32
      %dma_start3A_29 = tpu.memref_slice %arg3[%add3A, %dma_start3A_27, %dma_start3A_28] : memref<32x79x128xf32, #tpu.memory_space<hbm>> -> memref<1x79x128xf32, #tpu.memory_space<hbm>>
      %dma_start3A_30 = tpu.memref_squeeze %dma_start3A_29 : memref<1x79x128xf32, #tpu.memory_space<hbm>> -> memref<79x128xf32, #tpu.memory_space<hbm>>
      tpu.enqueue_dma source(%dma_start3A_30 : memref<79x128xf32, #tpu.memory_space<hbm>>) target(%arg7 : memref<79x128xf32, #tpu.memory_space<vmem>>) target_semaphore(%run_scoped3A : memref<!tpu.dma_semaphore, #tpu.memory_space<semaphore_mem>>)
      %dma_wait3A = arith.constant 0 : i32
      %dma_wait3A_31 = arith.constant 0 : i32
      %dma_wait3A_32 = tpu.memref_slice %arg3[%add3A, %dma_wait3A, %dma_wait3A_31] : memref<32x79x128xf32, #tpu.memory_space<hbm>> -> memref<1x79x128xf32, #tpu.memory_space<hbm>>
      %dma_wait3A_33 = tpu.memref_squeeze %dma_wait3A_32 : memref<1x79x128xf32, #tpu.memory_space<hbm>> -> memref<79x128xf32, #tpu.memory_space<hbm>>
      %dma_wait3A_34 = arith.constant 0 : i32
      %dma_wait3A_35 = arith.constant 0 : i32
      %dma_wait3A_36 = tpu.memref_slice %arg3[%add3A, %dma_wait3A_34, %dma_wait3A_35] : memref<32x79x128xf32, #tpu.memory_space<hbm>> -> memref<1x79x128xf32, #tpu.memory_space<hbm>>
      %dma_wait3A_37 = tpu.memref_squeeze %dma_wait3A_36 : memref<1x79x128xf32, #tpu.memory_space<hbm>> -> memref<79x128xf32, #tpu.memory_space<hbm>>
      tpu.wait_dma2 semaphore(%run_scoped3A : memref<!tpu.dma_semaphore, #tpu.memory_space<semaphore_mem>>) src(%dma_wait3A_37 : memref<79x128xf32, #tpu.memory_space<hbm>>) dst(%arg7 : memref<79x128xf32, #tpu.memory_space<vmem>>)
      tpu.yield
    }) : () -> ()
    %barrier3A = arith.constant 0 : index
    tpu.barrier barrier_id(%barrier3A)
    %scan3A_9 = arith.constant 0 : i32
    %scan3A_10 = arith.constant 0 : i32
    %scan3A_11 = arith.constant 79 : i32
    %scan3A_12 = arith.addi %scan3A_10, %scan3A_11 : i32
    %scan3A_13 = arith.constant 1 : i32
    %scan3A_14 = scf.for %scan3A_24 = %scan3A_10 to %scan3A_12 step %scan3A_13 iter_args(%scan3A_25 = %scan3A_9) -> (i32)  : i32 {
      "tpu.region"() ({
        %run_scoped3A = tpu.sem_alloc : memref<!tpu.dma_semaphore, #tpu.memory_space<semaphore_mem>>
        %dma_start3A = arith.constant 0 : i32
        %dma_start3A_27 = tpu.memref_slice %arg7[%scan3A_24, %dma_start3A] : memref<79x128xf32, #tpu.memory_space<vmem>> -> memref<1x128xf32, #tpu.memory_space<vmem>>
        %dma_start3A_28 = tpu.memref_squeeze %dma_start3A_27 : memref<1x128xf32, #tpu.memory_space<vmem>> -> memref<128xf32, #tpu.memory_space<vmem>>
        %dma_start3A_29 = arith.constant 0 : i32
        %dma_start3A_30 = tpu.memref_slice %arg6[%scan3A_24, %dma_start3A_29] : memref<79x128xi32, #tpu.memory_space<vmem>> -> memref<1x128xi32, #tpu.memory_space<vmem>>
        %dma_start3A_31 = tpu.memref_squeeze %dma_start3A_30 : memref<1x128xi32, #tpu.memory_space<vmem>> -> memref<128xi32, #tpu.memory_space<vmem>>
        %dma_start3A_32 = arith.constant 0 : i32
        %dma_start3A_33 = tpu.memref_slice %arg5[%dma_start3A_32] : memref<10112xf32, #tpu.memory_space<vmem_shared>> -> memref<10112xf32, #tpu.memory_space<vmem_shared>>
        tpu.enqueue_indirect_dma source(%dma_start3A_28 : memref<128xf32, #tpu.memory_space<vmem>>) target(%dma_start3A_33 : memref<10112xf32, #tpu.memory_space<vmem_shared>>) offsets(%dma_start3A_31 : memref<128xi32, #tpu.memory_space<vmem>>) semaphore(%run_scoped3A : memref<!tpu.dma_semaphore, #tpu.memory_space<semaphore_mem>>) {add = true}
        %dma_wait3A = arith.constant 0 : i32
        %dma_wait3A_34 = tpu.memref_slice %arg7[%scan3A_24, %dma_wait3A] : memref<79x128xf32, #tpu.memory_space<vmem>> -> memref<1x128xf32, #tpu.memory_space<vmem>>
        %dma_wait3A_35 = tpu.memref_squeeze %dma_wait3A_34 : memref<1x128xf32, #tpu.memory_space<vmem>> -> memref<128xf32, #tpu.memory_space<vmem>>
        %dma_wait3A_36 = arith.constant 0 : i32
        %dma_wait3A_37 = tpu.memref_slice %arg6[%scan3A_24, %dma_wait3A_36] : memref<79x128xi32, #tpu.memory_space<vmem>> -> memref<1x128xi32, #tpu.memory_space<vmem>>
        %dma_wait3A_38 = tpu.memref_squeeze %dma_wait3A_37 : memref<1x128xi32, #tpu.memory_space<vmem>> -> memref<128xi32, #tpu.memory_space<vmem>>
        %dma_wait3A_39 = arith.constant 0 : i32
        %dma_wait3A_40 = tpu.memref_slice %arg5[%dma_wait3A_39] : memref<10112xf32, #tpu.memory_space<vmem_shared>> -> memref<10112xf32, #tpu.memory_space<vmem_shared>>
        tpu.wait_indirect_dma semaphore(%run_scoped3A : memref<!tpu.dma_semaphore, #tpu.memory_space<semaphore_mem>>) src(%dma_wait3A_35 : memref<128xf32, #tpu.memory_space<vmem>>) dst(%dma_wait3A_40 : memref<10112xf32, #tpu.memory_space<vmem_shared>>)
        tpu.yield
      }) : () -> ()
      %scan3A_26 = arith.constant 0 : i32
      scf.yield %scan3A_26 : i32
    }
    %scan3A_15 = arith.constant 79 : i32
    %barrier3A_16 = arith.constant 0 : index
    tpu.barrier barrier_id(%barrier3A_16)
    %mul3A_17 = arith.constant 632 : i32
    %mul3A_18 = arith.muli %arg1, %mul3A_17 : i32
    "tpu.region"() ({
      %run_scoped3A = tpu.sem_alloc : memref<!tpu.dma_semaphore, #tpu.memory_space<semaphore_mem>>
      %dma_start3A = tpu.memref_slice %arg5[%mul3A_18] : memref<10112xf32, #tpu.memory_space<vmem_shared>> -> memref<632xf32, #tpu.memory_space<vmem_shared>>
      %dma_start3A_24 = tpu.memref_slice %arg5[%mul3A_18] : memref<10112xf32, #tpu.memory_space<vmem_shared>> -> memref<632xf32, #tpu.memory_space<vmem_shared>>
      tpu.enqueue_dma source(%dma_start3A_24 : memref<632xf32, #tpu.memory_space<vmem_shared>>) target(%arg8 : memref<632xf32, #tpu.memory_space<vmem>>) target_semaphore(%run_scoped3A : memref<!tpu.dma_semaphore, #tpu.memory_space<semaphore_mem>>)
      %dma_wait3A = tpu.memref_slice %arg5[%mul3A_18] : memref<10112xf32, #tpu.memory_space<vmem_shared>> -> memref<632xf32, #tpu.memory_space<vmem_shared>>
      %dma_wait3A_25 = tpu.memref_slice %arg5[%mul3A_18] : memref<10112xf32, #tpu.memory_space<vmem_shared>> -> memref<632xf32, #tpu.memory_space<vmem_shared>>
      tpu.wait_dma2 semaphore(%run_scoped3A : memref<!tpu.dma_semaphore, #tpu.memory_space<semaphore_mem>>) src(%dma_wait3A_25 : memref<632xf32, #tpu.memory_space<vmem_shared>>) dst(%arg8 : memref<632xf32, #tpu.memory_space<vmem>>)
      tpu.yield
    }) : () -> ()
    %mul3A_19 = arith.constant 10112 : i32
    %mul3A_20 = arith.muli %arg0, %mul3A_19 : i32
    %mul3A_21 = arith.constant 632 : i32
    %mul3A_22 = arith.muli %arg1, %mul3A_21 : i32
    %add3A_23 = arith.addi %mul3A_20, %mul3A_22 : i32
    "tpu.region"() ({
      %run_scoped3A = tpu.sem_alloc : memref<!tpu.dma_semaphore, #tpu.memory_space<semaphore_mem>>
      %dma_start3A = tpu.memref_slice %arg4[%add3A_23] : memref<20224xf32, #tpu.memory_space<hbm>> -> memref<632xf32, #tpu.memory_space<hbm>>
      %dma_start3A_24 = tpu.memref_slice %arg4[%add3A_23] : memref<20224xf32, #tpu.memory_space<hbm>> -> memref<632xf32, #tpu.memory_space<hbm>>
      tpu.enqueue_dma source(%arg8 : memref<632xf32, #tpu.memory_space<vmem>>) target(%dma_start3A_24 : memref<632xf32, #tpu.memory_space<hbm>>) target_semaphore(%run_scoped3A : memref<!tpu.dma_semaphore, #tpu.memory_space<semaphore_mem>>)
      %dma_wait3A = tpu.memref_slice %arg4[%add3A_23] : memref<20224xf32, #tpu.memory_space<hbm>> -> memref<632xf32, #tpu.memory_space<hbm>>
      %dma_wait3A_25 = tpu.memref_slice %arg4[%add3A_23] : memref<20224xf32, #tpu.memory_space<hbm>> -> memref<632xf32, #tpu.memory_space<hbm>>
      tpu.wait_dma2 semaphore(%run_scoped3A : memref<!tpu.dma_semaphore, #tpu.memory_space<semaphore_mem>>) src(%arg8 : memref<632xf32, #tpu.memory_space<vmem>>) dst(%dma_wait3A_25 : memref<632xf32, #tpu.memory_space<hbm>>)
      tpu.yield
    }) : () -> ()
    return
  }
}

#map = affine_map<(d0, d1) -> (0, 0, 0)>
#map1 = affine_map<(d0, d1) -> (0, 0)>
module attributes {stable_mosaic.version = 14 : i64} {
  func.func @agg_kernel(%arg0: i32, %arg1: i32, %arg2: memref<32x79x128xi32, #tpu.memory_space<hbm>>, %arg3: memref<32x79x128xi32, #tpu.memory_space<hbm>>, %arg4: memref<32x79x128xf32, #tpu.memory_space<hbm>>, %arg5: memref<10000x128xf32, #tpu.memory_space<hbm>>, %arg6: memref<128x128xf32, #tpu.memory_space<hbm>>, %arg7: memref<20224x128xf32, #tpu.memory_space<hbm>>, %arg8: memref<10112x128xf32, #tpu.memory_space<vmem_shared>>, %arg9: memref<128xi32, #tpu.memory_space<vmem>>, %arg10: memref<1x128xi32, #tpu.memory_space<vmem>>, %arg11: memref<128xf32, #tpu.memory_space<vmem>>, %arg12: memref<128x128xf32, #tpu.memory_space<vmem>>, %arg13: memref<!tpu.dma_semaphore, #tpu.memory_space<semaphore_mem>>) attributes {dimension_semantics = [#tpu.dimension_semantics<core_parallel>, #tpu.dimension_semantics<subcore_parallel>], iteration_bounds = array<i64: 2, 16>, scalar_prefetch = 0 : i64, scratch_operands = 6 : i64, tpu.core_type = #tpu.core_type<sc_vector_subcore>, window_params = [{transform_indices = #map}, {transform_indices = #map}, {transform_indices = #map}, {transform_indices = #map1}, {transform_indices = #map1}, {transform_indices = #map1}]} {
    %mul3A = arith.constant 16 : i32
    %mul3A_0 = arith.muli %arg0, %mul3A : i32
    %add3A = arith.addi %mul3A_0, %arg1 : i32
    "tpu.region"() ({
      %run_scoped3A = tpu.sem_alloc : memref<!tpu.dma_semaphore, #tpu.memory_space<semaphore_mem>>
      tpu.enqueue_dma source(%arg6 : memref<128x128xf32, #tpu.memory_space<hbm>>) target(%arg12 : memref<128x128xf32, #tpu.memory_space<vmem>>) target_semaphore(%run_scoped3A : memref<!tpu.dma_semaphore, #tpu.memory_space<semaphore_mem>>)
      tpu.wait_dma2 semaphore(%run_scoped3A : memref<!tpu.dma_semaphore, #tpu.memory_space<semaphore_mem>>) src(%arg6 : memref<128x128xf32, #tpu.memory_space<hbm>>) dst(%arg12 : memref<128x128xf32, #tpu.memory_space<vmem>>)
      tpu.yield
    }) : () -> ()
    %scan3A = arith.constant 0 : i32
    %scan3A_1 = arith.constant 0 : i32
    %scan3A_2 = arith.constant 4 : i32
    %scan3A_3 = arith.addi %scan3A_1, %scan3A_2 : i32
    %scan3A_4 = arith.constant 1 : i32
    %scan3A_5 = scf.for %scan3A_33 = %scan3A_1 to %scan3A_3 step %scan3A_4 iter_args(%scan3A_34 = %scan3A) -> (i32)  : i32 {
      %mul3A_35 = arith.constant 632 : i32
      %mul3A_36 = arith.muli %arg1, %mul3A_35 : i32
      %mul3A_37 = arith.constant 128 : i32
      %mul3A_38 = arith.muli %scan3A_33, %mul3A_37 : i32
      %add3A_39 = arith.addi %mul3A_36, %mul3A_38 : i32
      "tpu.region"() ({
        %run_scoped3A = tpu.sem_alloc : memref<!tpu.dma_semaphore, #tpu.memory_space<semaphore_mem>>
        %dma_start3A = arith.constant 0 : i32
        %dma_start3A_41 = tpu.memref_slice %arg8[%add3A_39, %dma_start3A] : memref<10112x128xf32, #tpu.memory_space<vmem_shared>> -> memref<128x128xf32, #tpu.memory_space<vmem_shared>>
        %dma_start3A_42 = arith.constant 0 : i32
        %dma_start3A_43 = tpu.memref_slice %arg8[%add3A_39, %dma_start3A_42] : memref<10112x128xf32, #tpu.memory_space<vmem_shared>> -> memref<128x128xf32, #tpu.memory_space<vmem_shared>>
        tpu.enqueue_dma source(%arg12 : memref<128x128xf32, #tpu.memory_space<vmem>>) target(%dma_start3A_43 : memref<128x128xf32, #tpu.memory_space<vmem_shared>>) target_semaphore(%run_scoped3A : memref<!tpu.dma_semaphore, #tpu.memory_space<semaphore_mem>>)
        %dma_wait3A = arith.constant 0 : i32
        %dma_wait3A_44 = tpu.memref_slice %arg8[%add3A_39, %dma_wait3A] : memref<10112x128xf32, #tpu.memory_space<vmem_shared>> -> memref<128x128xf32, #tpu.memory_space<vmem_shared>>
        %dma_wait3A_45 = arith.constant 0 : i32
        %dma_wait3A_46 = tpu.memref_slice %arg8[%add3A_39, %dma_wait3A_45] : memref<10112x128xf32, #tpu.memory_space<vmem_shared>> -> memref<128x128xf32, #tpu.memory_space<vmem_shared>>
        tpu.wait_dma2 semaphore(%run_scoped3A : memref<!tpu.dma_semaphore, #tpu.memory_space<semaphore_mem>>) src(%arg12 : memref<128x128xf32, #tpu.memory_space<vmem>>) dst(%dma_wait3A_46 : memref<128x128xf32, #tpu.memory_space<vmem_shared>>)
        tpu.yield
      }) : () -> ()
      %scan3A_40 = arith.constant 0 : i32
      scf.yield %scan3A_40 : i32
    }
    %scan3A_6 = arith.constant 4 : i32
    %mul3A_7 = arith.constant 632 : i32
    %mul3A_8 = arith.muli %arg1, %mul3A_7 : i32
    %add3A_9 = arith.constant 512 : i32
    %add3A_10 = arith.addi %mul3A_8, %add3A_9 : i32
    "tpu.region"() ({
      %run_scoped3A = tpu.sem_alloc : memref<!tpu.dma_semaphore, #tpu.memory_space<semaphore_mem>>
      %dma_start3A = arith.constant 0 : i32
      %dma_start3A_33 = arith.constant 0 : i32
      %dma_start3A_34 = tpu.memref_slice %arg12[%dma_start3A, %dma_start3A_33] : memref<128x128xf32, #tpu.memory_space<vmem>> -> memref<120x128xf32, #tpu.memory_space<vmem>>
      %dma_start3A_35 = arith.constant 0 : i32
      %dma_start3A_36 = tpu.memref_slice %arg8[%add3A_10, %dma_start3A_35] : memref<10112x128xf32, #tpu.memory_space<vmem_shared>> -> memref<120x128xf32, #tpu.memory_space<vmem_shared>>
      %dma_start3A_37 = arith.constant 0 : i32
      %dma_start3A_38 = tpu.memref_slice %arg8[%add3A_10, %dma_start3A_37] : memref<10112x128xf32, #tpu.memory_space<vmem_shared>> -> memref<120x128xf32, #tpu.memory_space<vmem_shared>>
      %dma_start3A_39 = arith.constant 0 : i32
      %dma_start3A_40 = arith.constant 0 : i32
      %dma_start3A_41 = tpu.memref_slice %arg12[%dma_start3A_39, %dma_start3A_40] : memref<128x128xf32, #tpu.memory_space<vmem>> -> memref<120x128xf32, #tpu.memory_space<vmem>>
      tpu.enqueue_dma source(%dma_start3A_41 : memref<120x128xf32, #tpu.memory_space<vmem>>) target(%dma_start3A_38 : memref<120x128xf32, #tpu.memory_space<vmem_shared>>) target_semaphore(%run_scoped3A : memref<!tpu.dma_semaphore, #tpu.memory_space<semaphore_mem>>)
      %dma_wait3A = arith.constant 0 : i32
      %dma_wait3A_42 = arith.constant 0 : i32
      %dma_wait3A_43 = tpu.memref_slice %arg12[%dma_wait3A, %dma_wait3A_42] : memref<128x128xf32, #tpu.memory_space<vmem>> -> memref<120x128xf32, #tpu.memory_space<vmem>>
      %dma_wait3A_44 = arith.constant 0 : i32
      %dma_wait3A_45 = tpu.memref_slice %arg8[%add3A_10, %dma_wait3A_44] : memref<10112x128xf32, #tpu.memory_space<vmem_shared>> -> memref<120x128xf32, #tpu.memory_space<vmem_shared>>
      %dma_wait3A_46 = arith.constant 0 : i32
      %dma_wait3A_47 = tpu.memref_slice %arg8[%add3A_10, %dma_wait3A_46] : memref<10112x128xf32, #tpu.memory_space<vmem_shared>> -> memref<120x128xf32, #tpu.memory_space<vmem_shared>>
      %dma_wait3A_48 = arith.constant 0 : i32
      %dma_wait3A_49 = arith.constant 0 : i32
      %dma_wait3A_50 = tpu.memref_slice %arg12[%dma_wait3A_48, %dma_wait3A_49] : memref<128x128xf32, #tpu.memory_space<vmem>> -> memref<120x128xf32, #tpu.memory_space<vmem>>
      tpu.wait_dma2 semaphore(%run_scoped3A : memref<!tpu.dma_semaphore, #tpu.memory_space<semaphore_mem>>) src(%dma_wait3A_50 : memref<120x128xf32, #tpu.memory_space<vmem>>) dst(%dma_wait3A_47 : memref<120x128xf32, #tpu.memory_space<vmem_shared>>)
      tpu.yield
    }) : () -> ()
    %barrier3A = arith.constant 0 : index
    tpu.barrier barrier_id(%barrier3A)
    %scan3A_11 = arith.constant 0 : i32
    %scan3A_12 = arith.constant 0 : i32
    %scan3A_13 = arith.constant 79 : i32
    %scan3A_14 = arith.addi %scan3A_12, %scan3A_13 : i32
    %scan3A_15 = arith.constant 1 : i32
    %scan3A_16 = scf.for %scan3A_33 = %scan3A_12 to %scan3A_14 step %scan3A_15 iter_args(%scan3A_34 = %scan3A_11) -> (i32)  : i32 {
      "tpu.region"() ({
        %run_scoped3A_47 = tpu.sem_alloc : memref<!tpu.dma_semaphore, #tpu.memory_space<semaphore_mem>>
        %dma_start3A_48 = arith.constant 0 : i32
        %dma_start3A_49 = tpu.memref_slice %arg2[%add3A, %scan3A_33, %dma_start3A_48] : memref<32x79x128xi32, #tpu.memory_space<hbm>> -> memref<1x1x128xi32, #tpu.memory_space<hbm>>
        %dma_start3A_50 = tpu.memref_squeeze %dma_start3A_49 : memref<1x1x128xi32, #tpu.memory_space<hbm>> -> memref<128xi32, #tpu.memory_space<hbm>>
        %dma_start3A_51 = arith.constant 0 : i32
        %dma_start3A_52 = tpu.memref_slice %arg2[%add3A, %scan3A_33, %dma_start3A_51] : memref<32x79x128xi32, #tpu.memory_space<hbm>> -> memref<1x1x128xi32, #tpu.memory_space<hbm>>
        %dma_start3A_53 = tpu.memref_squeeze %dma_start3A_52 : memref<1x1x128xi32, #tpu.memory_space<hbm>> -> memref<128xi32, #tpu.memory_space<hbm>>
        tpu.enqueue_dma source(%dma_start3A_53 : memref<128xi32, #tpu.memory_space<hbm>>) target(%arg9 : memref<128xi32, #tpu.memory_space<vmem>>) target_semaphore(%run_scoped3A_47 : memref<!tpu.dma_semaphore, #tpu.memory_space<semaphore_mem>>)
        %dma_wait3A_54 = arith.constant 0 : i32
        %dma_wait3A_55 = tpu.memref_slice %arg2[%add3A, %scan3A_33, %dma_wait3A_54] : memref<32x79x128xi32, #tpu.memory_space<hbm>> -> memref<1x1x128xi32, #tpu.memory_space<hbm>>
        %dma_wait3A_56 = tpu.memref_squeeze %dma_wait3A_55 : memref<1x1x128xi32, #tpu.memory_space<hbm>> -> memref<128xi32, #tpu.memory_space<hbm>>
        %dma_wait3A_57 = arith.constant 0 : i32
        %dma_wait3A_58 = tpu.memref_slice %arg2[%add3A, %scan3A_33, %dma_wait3A_57] : memref<32x79x128xi32, #tpu.memory_space<hbm>> -> memref<1x1x128xi32, #tpu.memory_space<hbm>>
        %dma_wait3A_59 = tpu.memref_squeeze %dma_wait3A_58 : memref<1x1x128xi32, #tpu.memory_space<hbm>> -> memref<128xi32, #tpu.memory_space<hbm>>
        tpu.wait_dma2 semaphore(%run_scoped3A_47 : memref<!tpu.dma_semaphore, #tpu.memory_space<semaphore_mem>>) src(%dma_wait3A_59 : memref<128xi32, #tpu.memory_space<hbm>>) dst(%arg9 : memref<128xi32, #tpu.memory_space<vmem>>)
        tpu.yield
      }) : () -> ()
      %dma_start3A = arith.constant 0 : i32
      %dma_start3A_35 = arith.constant 0 : i32
      %dma_start3A_36 = tpu.memref_slice %arg5[%dma_start3A, %dma_start3A_35] : memref<10000x128xf32, #tpu.memory_space<hbm>> -> memref<10000x128xf32, #tpu.memory_space<hbm>>
      tpu.enqueue_indirect_dma source(%dma_start3A_36 : memref<10000x128xf32, #tpu.memory_space<hbm>>) target(%arg12 : memref<128x128xf32, #tpu.memory_space<vmem>>) offsets(%arg9 : memref<128xi32, #tpu.memory_space<vmem>>) semaphore(%arg13 : memref<!tpu.dma_semaphore, #tpu.memory_space<semaphore_mem>>)
      "tpu.region"() ({
        %run_scoped3A_47 = tpu.sem_alloc : memref<!tpu.dma_semaphore, #tpu.memory_space<semaphore_mem>>
        %dma_start3A_48 = arith.constant 0 : i32
        %dma_start3A_49 = tpu.memref_slice %arg3[%add3A, %scan3A_33, %dma_start3A_48] : memref<32x79x128xi32, #tpu.memory_space<hbm>> -> memref<1x1x128xi32, #tpu.memory_space<hbm>>
        %dma_start3A_50 = tpu.memref_squeeze %dma_start3A_49 : memref<1x1x128xi32, #tpu.memory_space<hbm>> -> memref<1x128xi32, #tpu.memory_space<hbm>>
        %dma_start3A_51 = arith.constant 0 : i32
        %dma_start3A_52 = tpu.memref_slice %arg3[%add3A, %scan3A_33, %dma_start3A_51] : memref<32x79x128xi32, #tpu.memory_space<hbm>> -> memref<1x1x128xi32, #tpu.memory_space<hbm>>
        %dma_start3A_53 = tpu.memref_squeeze %dma_start3A_52 : memref<1x1x128xi32, #tpu.memory_space<hbm>> -> memref<1x128xi32, #tpu.memory_space<hbm>>
        tpu.enqueue_dma source(%dma_start3A_53 : memref<1x128xi32, #tpu.memory_space<hbm>>) target(%arg10 : memref<1x128xi32, #tpu.memory_space<vmem>>) target_semaphore(%run_scoped3A_47 : memref<!tpu.dma_semaphore, #tpu.memory_space<semaphore_mem>>)
        %dma_wait3A_54 = arith.constant 0 : i32
        %dma_wait3A_55 = tpu.memref_slice %arg3[%add3A, %scan3A_33, %dma_wait3A_54] : memref<32x79x128xi32, #tpu.memory_space<hbm>> -> memref<1x1x128xi32, #tpu.memory_space<hbm>>
        %dma_wait3A_56 = tpu.memref_squeeze %dma_wait3A_55 : memref<1x1x128xi32, #tpu.memory_space<hbm>> -> memref<1x128xi32, #tpu.memory_space<hbm>>
        %dma_wait3A_57 = arith.constant 0 : i32
        %dma_wait3A_58 = tpu.memref_slice %arg3[%add3A, %scan3A_33, %dma_wait3A_57] : memref<32x79x128xi32, #tpu.memory_space<hbm>> -> memref<1x1x128xi32, #tpu.memory_space<hbm>>
        %dma_wait3A_59 = tpu.memref_squeeze %dma_wait3A_58 : memref<1x1x128xi32, #tpu.memory_space<hbm>> -> memref<1x128xi32, #tpu.memory_space<hbm>>
        tpu.wait_dma2 semaphore(%run_scoped3A_47 : memref<!tpu.dma_semaphore, #tpu.memory_space<semaphore_mem>>) src(%dma_wait3A_59 : memref<1x128xi32, #tpu.memory_space<hbm>>) dst(%arg10 : memref<1x128xi32, #tpu.memory_space<vmem>>)
        tpu.yield
      }) : () -> ()
      "tpu.region"() ({
        %run_scoped3A_47 = tpu.sem_alloc : memref<!tpu.dma_semaphore, #tpu.memory_space<semaphore_mem>>
        %dma_start3A_48 = arith.constant 0 : i32
        %dma_start3A_49 = tpu.memref_slice %arg4[%add3A, %scan3A_33, %dma_start3A_48] : memref<32x79x128xf32, #tpu.memory_space<hbm>> -> memref<1x1x128xf32, #tpu.memory_space<hbm>>
        %dma_start3A_50 = tpu.memref_squeeze %dma_start3A_49 : memref<1x1x128xf32, #tpu.memory_space<hbm>> -> memref<128xf32, #tpu.memory_space<hbm>>
        %dma_start3A_51 = arith.constant 0 : i32
        %dma_start3A_52 = tpu.memref_slice %arg4[%add3A, %scan3A_33, %dma_start3A_51] : memref<32x79x128xf32, #tpu.memory_space<hbm>> -> memref<1x1x128xf32, #tpu.memory_space<hbm>>
        %dma_start3A_53 = tpu.memref_squeeze %dma_start3A_52 : memref<1x1x128xf32, #tpu.memory_space<hbm>> -> memref<128xf32, #tpu.memory_space<hbm>>
        tpu.enqueue_dma source(%dma_start3A_53 : memref<128xf32, #tpu.memory_space<hbm>>) target(%arg11 : memref<128xf32, #tpu.memory_space<vmem>>) target_semaphore(%run_scoped3A_47 : memref<!tpu.dma_semaphore, #tpu.memory_space<semaphore_mem>>)
        %dma_wait3A_54 = arith.constant 0 : i32
        %dma_wait3A_55 = tpu.memref_slice %arg4[%add3A, %scan3A_33, %dma_wait3A_54] : memref<32x79x128xf32, #tpu.memory_space<hbm>> -> memref<1x1x128xf32, #tpu.memory_space<hbm>>
        %dma_wait3A_56 = tpu.memref_squeeze %dma_wait3A_55 : memref<1x1x128xf32, #tpu.memory_space<hbm>> -> memref<128xf32, #tpu.memory_space<hbm>>
        %dma_wait3A_57 = arith.constant 0 : i32
        %dma_wait3A_58 = tpu.memref_slice %arg4[%add3A, %scan3A_33, %dma_wait3A_57] : memref<32x79x128xf32, #tpu.memory_space<hbm>> -> memref<1x1x128xf32, #tpu.memory_space<hbm>>
        %dma_wait3A_59 = tpu.memref_squeeze %dma_wait3A_58 : memref<1x1x128xf32, #tpu.memory_space<hbm>> -> memref<128xf32, #tpu.memory_space<hbm>>
        tpu.wait_dma2 semaphore(%run_scoped3A_47 : memref<!tpu.dma_semaphore, #tpu.memory_space<semaphore_mem>>) src(%dma_wait3A_59 : memref<128xf32, #tpu.memory_space<hbm>>) dst(%arg11 : memref<128xf32, #tpu.memory_space<vmem>>)
        tpu.yield
      }) : () -> ()
      %dma_wait3A = arith.constant 0 : i32
      %dma_wait3A_37 = arith.constant 0 : i32
      %dma_wait3A_38 = tpu.memref_slice %arg5[%dma_wait3A, %dma_wait3A_37] : memref<10000x128xf32, #tpu.memory_space<hbm>> -> memref<10000x128xf32, #tpu.memory_space<hbm>>
      tpu.wait_indirect_dma semaphore(%arg13 : memref<!tpu.dma_semaphore, #tpu.memory_space<semaphore_mem>>) src(%dma_wait3A_38 : memref<10000x128xf32, #tpu.memory_space<hbm>>) dst(%arg12 : memref<128x128xf32, #tpu.memory_space<vmem>>)
      %scan3A_39 = arith.constant 0 : i32
      %scan3A_40 = arith.constant 0 : i32
      %scan3A_41 = arith.constant 8 : i32
      %scan3A_42 = arith.addi %scan3A_40, %scan3A_41 : i32
      %scan3A_43 = arith.constant 1 : i32
      %scan3A_44 = scf.for %scan3A_47 = %scan3A_40 to %scan3A_42 step %scan3A_43 iter_args(%scan3A_48 = %scan3A_39) -> (i32)  : i32 {
        %mul3A_49 = arith.constant 16 : i32
        %mul3A_50 = arith.muli %scan3A_47, %mul3A_49 : i32
        %get3A = arith.index_cast %mul3A_50 : i32 to index
        %get3A_51 = tpu.vector_load %arg11[%get3A] {strides = array<i32>} : memref<128xf32, #tpu.memory_space<vmem>>, vector<16xf32>,
        %get3A_52 = vector.shape_cast %get3A_51 : vector<16xf32> to vector<16xf32>
        %scan3A_53 = arith.constant 0 : i32
        %scan3A_54 = arith.constant 0 : i32
        %scan3A_55 = arith.constant 16 : i32
        %scan3A_56 = arith.addi %scan3A_54, %scan3A_55 : i32
        %scan3A_57 = arith.constant 1 : i32
        %scan3A_58 = scf.for %scan3A_61 = %scan3A_54 to %scan3A_56 step %scan3A_57 iter_args(%scan3A_62 = %scan3A_53) -> (i32)  : i32 {
          %mul3A_63 = arith.constant 16 : i32
          %mul3A_64 = arith.muli %scan3A_47, %mul3A_63 : i32
          %add3A_65 = arith.addi %mul3A_64, %scan3A_61 : i32
          %broadcast_in_dim3A = vector.broadcast %scan3A_61 : i32 to vector<16xi32>
          %lt3A = arith.constant 0 : i32
          %lt3A_66 = vector.broadcast %lt3A : i32 to vector<16xi32>
          %lt3A_67 = arith.cmpi slt, %broadcast_in_dim3A, %lt3A_66 : vector<16xi32>
          %add3A_68 = arith.constant 16 : i32
          %add3A_69 = vector.broadcast %add3A_68 : i32 to vector<16xi32>
          %add3A_70 = arith.addi %broadcast_in_dim3A, %add3A_69 : vector<16xi32>
          %select_n3A = arith.select %lt3A_67, %add3A_70, %broadcast_in_dim3A : vector<16xi1>, vector<16xi32>
          %broadcast_in_dim3A_71 = vector.shape_cast %select_n3A : vector<16xi32> to vector<16x1xi32>
          %gather3A = vector.shape_cast %broadcast_in_dim3A_71 : vector<16x1xi32> to vector<16xi32>
          %gather3A_72 = tpu.dynamic_gather %get3A_52[%gather3A] in [0] : vector<16xf32>, vector<16xi32> -> vector<16xf32>
          %get3A_73 = arith.index_cast %add3A_65 : i32 to index
          %get3A_74 = arith.constant 0 : index
          %get3A_75 = tpu.vector_load %arg12[%get3A_73, %get3A_74] {strides = array<i32>} : memref<128x128xf32, #tpu.memory_space<vmem>>, vector<1x16xf32>,
          %get3A_76 = vector.shape_cast %get3A_75 : vector<1x16xf32> to vector<16xf32>
          %mul3A_77 = arith.mulf %get3A_76, %gather3A_72 : vector<16xf32>
          %swap3A = arith.index_cast %add3A_65 : i32 to index
          %swap3A_78 = arith.constant 0 : index
          %swap3A_79 = tpu.vector_load %arg12[%swap3A, %swap3A_78] {strides = array<i32>} : memref<128x128xf32, #tpu.memory_space<vmem>>, vector<1x16xf32>,
          %swap3A_80 = vector.shape_cast %swap3A_79 : vector<1x16xf32> to vector<16xf32>
          %swap3A_81 = vector.shape_cast %mul3A_77 : vector<16xf32> to vector<1x16xf32>
          tpu.vector_store %arg12[%swap3A, %swap3A_78], %swap3A_81 {strides = array<i32>} : memref<128x128xf32, #tpu.memory_space<vmem>>, vector<1x16xf32>,
          %get3A_82 = arith.index_cast %add3A_65 : i32 to index
          %get3A_83 = arith.constant 16 : index
          %get3A_84 = tpu.vector_load %arg12[%get3A_82, %get3A_83] {strides = array<i32>} : memref<128x128xf32, #tpu.memory_space<vmem>>, vector<1x16xf32>,
          %get3A_85 = vector.shape_cast %get3A_84 : vector<1x16xf32> to vector<16xf32>
          %mul3A_86 = arith.mulf %get3A_85, %gather3A_72 : vector<16xf32>
          %swap3A_87 = arith.index_cast %add3A_65 : i32 to index
          %swap3A_88 = arith.constant 16 : index
          %swap3A_89 = tpu.vector_load %arg12[%swap3A_87, %swap3A_88] {strides = array<i32>} : memref<128x128xf32, #tpu.memory_space<vmem>>, vector<1x16xf32>,
          %swap3A_90 = vector.shape_cast %swap3A_89 : vector<1x16xf32> to vector<16xf32>
          %swap3A_91 = vector.shape_cast %mul3A_86 : vector<16xf32> to vector<1x16xf32>
          tpu.vector_store %arg12[%swap3A_87, %swap3A_88], %swap3A_91 {strides = array<i32>} : memref<128x128xf32, #tpu.memory_space<vmem>>, vector<1x16xf32>,
          %get3A_92 = arith.index_cast %add3A_65 : i32 to index
          %get3A_93 = arith.constant 32 : index
          %get3A_94 = tpu.vector_load %arg12[%get3A_92, %get3A_93] {strides = array<i32>} : memref<128x128xf32, #tpu.memory_space<vmem>>, vector<1x16xf32>,
          %get3A_95 = vector.shape_cast %get3A_94 : vector<1x16xf32> to vector<16xf32>
          %mul3A_96 = arith.mulf %get3A_95, %gather3A_72 : vector<16xf32>
          %swap3A_97 = arith.index_cast %add3A_65 : i32 to index
          %swap3A_98 = arith.constant 32 : index
          %swap3A_99 = tpu.vector_load %arg12[%swap3A_97, %swap3A_98] {strides = array<i32>} : memref<128x128xf32, #tpu.memory_space<vmem>>, vector<1x16xf32>,
          %swap3A_100 = vector.shape_cast %swap3A_99 : vector<1x16xf32> to vector<16xf32>
          %swap3A_101 = vector.shape_cast %mul3A_96 : vector<16xf32> to vector<1x16xf32>
          tpu.vector_store %arg12[%swap3A_97, %swap3A_98], %swap3A_101 {strides = array<i32>} : memref<128x128xf32, #tpu.memory_space<vmem>>, vector<1x16xf32>,
          %get3A_102 = arith.index_cast %add3A_65 : i32 to index
          %get3A_103 = arith.constant 48 : index
          %get3A_104 = tpu.vector_load %arg12[%get3A_102, %get3A_103] {strides = array<i32>} : memref<128x128xf32, #tpu.memory_space<vmem>>, vector<1x16xf32>,
          %get3A_105 = vector.shape_cast %get3A_104 : vector<1x16xf32> to vector<16xf32>
          %mul3A_106 = arith.mulf %get3A_105, %gather3A_72 : vector<16xf32>
          %swap3A_107 = arith.index_cast %add3A_65 : i32 to index
          %swap3A_108 = arith.constant 48 : index
          %swap3A_109 = tpu.vector_load %arg12[%swap3A_107, %swap3A_108] {strides = array<i32>} : memref<128x128xf32, #tpu.memory_space<vmem>>, vector<1x16xf32>,
          %swap3A_110 = vector.shape_cast %swap3A_109 : vector<1x16xf32> to vector<16xf32>
          %swap3A_111 = vector.shape_cast %mul3A_106 : vector<16xf32> to vector<1x16xf32>
          tpu.vector_store %arg12[%swap3A_107, %swap3A_108], %swap3A_111 {strides = array<i32>} : memref<128x128xf32, #tpu.memory_space<vmem>>, vector<1x16xf32>,
          %get3A_112 = arith.index_cast %add3A_65 : i32 to index
          %get3A_113 = arith.constant 64 : index
          %get3A_114 = tpu.vector_load %arg12[%get3A_112, %get3A_113] {strides = array<i32>} : memref<128x128xf32, #tpu.memory_space<vmem>>, vector<1x16xf32>,
          %get3A_115 = vector.shape_cast %get3A_114 : vector<1x16xf32> to vector<16xf32>
          %mul3A_116 = arith.mulf %get3A_115, %gather3A_72 : vector<16xf32>
          %swap3A_117 = arith.index_cast %add3A_65 : i32 to index
          %swap3A_118 = arith.constant 64 : index
          %swap3A_119 = tpu.vector_load %arg12[%swap3A_117, %swap3A_118] {strides = array<i32>} : memref<128x128xf32, #tpu.memory_space<vmem>>, vector<1x16xf32>,
          %swap3A_120 = vector.shape_cast %swap3A_119 : vector<1x16xf32> to vector<16xf32>
          %swap3A_121 = vector.shape_cast %mul3A_116 : vector<16xf32> to vector<1x16xf32>
          tpu.vector_store %arg12[%swap3A_117, %swap3A_118], %swap3A_121 {strides = array<i32>} : memref<128x128xf32, #tpu.memory_space<vmem>>, vector<1x16xf32>,
          %get3A_122 = arith.index_cast %add3A_65 : i32 to index
          %get3A_123 = arith.constant 80 : index
          %get3A_124 = tpu.vector_load %arg12[%get3A_122, %get3A_123] {strides = array<i32>} : memref<128x128xf32, #tpu.memory_space<vmem>>, vector<1x16xf32>,
          %get3A_125 = vector.shape_cast %get3A_124 : vector<1x16xf32> to vector<16xf32>
          %mul3A_126 = arith.mulf %get3A_125, %gather3A_72 : vector<16xf32>
          %swap3A_127 = arith.index_cast %add3A_65 : i32 to index
          %swap3A_128 = arith.constant 80 : index
          %swap3A_129 = tpu.vector_load %arg12[%swap3A_127, %swap3A_128] {strides = array<i32>} : memref<128x128xf32, #tpu.memory_space<vmem>>, vector<1x16xf32>,
          %swap3A_130 = vector.shape_cast %swap3A_129 : vector<1x16xf32> to vector<16xf32>
          %swap3A_131 = vector.shape_cast %mul3A_126 : vector<16xf32> to vector<1x16xf32>
          tpu.vector_store %arg12[%swap3A_127, %swap3A_128], %swap3A_131 {strides = array<i32>} : memref<128x128xf32, #tpu.memory_space<vmem>>, vector<1x16xf32>,
          %get3A_132 = arith.index_cast %add3A_65 : i32 to index
          %get3A_133 = arith.constant 96 : index
          %get3A_134 = tpu.vector_load %arg12[%get3A_132, %get3A_133] {strides = array<i32>} : memref<128x128xf32, #tpu.memory_space<vmem>>, vector<1x16xf32>,
          %get3A_135 = vector.shape_cast %get3A_134 : vector<1x16xf32> to vector<16xf32>
          %mul3A_136 = arith.mulf %get3A_135, %gather3A_72 : vector<16xf32>
          %swap3A_137 = arith.index_cast %add3A_65 : i32 to index
          %swap3A_138 = arith.constant 96 : index
          %swap3A_139 = tpu.vector_load %arg12[%swap3A_137, %swap3A_138] {strides = array<i32>} : memref<128x128xf32, #tpu.memory_space<vmem>>, vector<1x16xf32>,
          %swap3A_140 = vector.shape_cast %swap3A_139 : vector<1x16xf32> to vector<16xf32>
          %swap3A_141 = vector.shape_cast %mul3A_136 : vector<16xf32> to vector<1x16xf32>
          tpu.vector_store %arg12[%swap3A_137, %swap3A_138], %swap3A_141 {strides = array<i32>} : memref<128x128xf32, #tpu.memory_space<vmem>>, vector<1x16xf32>,
          %get3A_142 = arith.index_cast %add3A_65 : i32 to index
          %get3A_143 = arith.constant 112 : index
          %get3A_144 = tpu.vector_load %arg12[%get3A_142, %get3A_143] {strides = array<i32>} : memref<128x128xf32, #tpu.memory_space<vmem>>, vector<1x16xf32>,
          %get3A_145 = vector.shape_cast %get3A_144 : vector<1x16xf32> to vector<16xf32>
          %mul3A_146 = arith.mulf %get3A_145, %gather3A_72 : vector<16xf32>
          %swap3A_147 = arith.index_cast %add3A_65 : i32 to index
          %swap3A_148 = arith.constant 112 : index
          %swap3A_149 = tpu.vector_load %arg12[%swap3A_147, %swap3A_148] {strides = array<i32>} : memref<128x128xf32, #tpu.memory_space<vmem>>, vector<1x16xf32>,
          %swap3A_150 = vector.shape_cast %swap3A_149 : vector<1x16xf32> to vector<16xf32>
          %swap3A_151 = vector.shape_cast %mul3A_146 : vector<16xf32> to vector<1x16xf32>
          tpu.vector_store %arg12[%swap3A_147, %swap3A_148], %swap3A_151 {strides = array<i32>} : memref<128x128xf32, #tpu.memory_space<vmem>>, vector<1x16xf32>,
          %scan3A_152 = arith.constant 0 : i32
          scf.yield %scan3A_152 : i32
        }
        %scan3A_59 = arith.constant 16 : i32
        %scan3A_60 = arith.constant 0 : i32
        scf.yield %scan3A_60 : i32
      }
      %scan3A_45 = arith.constant 8 : i32
      %run_scoped3A = arith.constant 0 : i32
      "tpu.region"() ({
        %run_scoped3A_47 = tpu.sem_alloc : memref<!tpu.dma_semaphore, #tpu.memory_space<semaphore_mem>>
        %dma_start3A_48 = arith.constant 0 : i32
        %dma_start3A_49 = tpu.memref_slice %arg10[%run_scoped3A, %dma_start3A_48] : memref<1x128xi32, #tpu.memory_space<vmem>> -> memref<1x128xi32, #tpu.memory_space<vmem>>
        %dma_start3A_50 = tpu.memref_squeeze %dma_start3A_49 : memref<1x128xi32, #tpu.memory_space<vmem>> -> memref<128xi32, #tpu.memory_space<vmem>>
        %dma_start3A_51 = arith.constant 0 : i32
        %dma_start3A_52 = arith.constant 0 : i32
        %dma_start3A_53 = tpu.memref_slice %arg8[%dma_start3A_51, %dma_start3A_52] : memref<10112x128xf32, #tpu.memory_space<vmem_shared>> -> memref<10112x128xf32, #tpu.memory_space<vmem_shared>>
        tpu.enqueue_indirect_dma source(%arg12 : memref<128x128xf32, #tpu.memory_space<vmem>>) target(%dma_start3A_53 : memref<10112x128xf32, #tpu.memory_space<vmem_shared>>) offsets(%dma_start3A_50 : memref<128xi32, #tpu.memory_space<vmem>>) semaphore(%run_scoped3A_47 : memref<!tpu.dma_semaphore, #tpu.memory_space<semaphore_mem>>) {add = true}
        %dma_wait3A_54 = arith.constant 0 : i32
        %dma_wait3A_55 = tpu.memref_slice %arg10[%run_scoped3A, %dma_wait3A_54] : memref<1x128xi32, #tpu.memory_space<vmem>> -> memref<1x128xi32, #tpu.memory_space<vmem>>
        %dma_wait3A_56 = tpu.memref_squeeze %dma_wait3A_55 : memref<1x128xi32, #tpu.memory_space<vmem>> -> memref<128xi32, #tpu.memory_space<vmem>>
        %dma_wait3A_57 = arith.constant 0 : i32
        %dma_wait3A_58 = arith.constant 0 : i32
        %dma_wait3A_59 = tpu.memref_slice %arg8[%dma_wait3A_57, %dma_wait3A_58] : memref<10112x128xf32, #tpu.memory_space<vmem_shared>> -> memref<10112x128xf32, #tpu.memory_space<vmem_shared>>
        tpu.wait_indirect_dma semaphore(%run_scoped3A_47 : memref<!tpu.dma_semaphore, #tpu.memory_space<semaphore_mem>>) src(%arg12 : memref<128x128xf32, #tpu.memory_space<vmem>>) dst(%dma_wait3A_59 : memref<10112x128xf32, #tpu.memory_space<vmem_shared>>)
        tpu.yield
      }) : () -> ()
      %scan3A_46 = arith.constant 0 : i32
      scf.yield %scan3A_46 : i32
    }
    %scan3A_17 = arith.constant 79 : i32
    %barrier3A_18 = arith.constant 0 : index
    tpu.barrier barrier_id(%barrier3A_18)
    %scan3A_19 = arith.constant 0 : i32
    %scan3A_20 = arith.constant 0 : i32
    %scan3A_21 = arith.constant 4 : i32
    %scan3A_22 = arith.addi %scan3A_20, %scan3A_21 : i32
    %scan3A_23 = arith.constant 1 : i32
    %scan3A_24 = scf.for %scan3A_33 = %scan3A_20 to %scan3A_22 step %scan3A_23 iter_args(%scan3A_34 = %scan3A_19) -> (i32)  : i32 {
      %mul3A_35 = arith.constant 632 : i32
      %mul3A_36 = arith.muli %arg1, %mul3A_35 : i32
      %mul3A_37 = arith.constant 128 : i32
      %mul3A_38 = arith.muli %scan3A_33, %mul3A_37 : i32
      %add3A_39 = arith.addi %mul3A_36, %mul3A_38 : i32
      "tpu.region"() ({
        %run_scoped3A = tpu.sem_alloc : memref<!tpu.dma_semaphore, #tpu.memory_space<semaphore_mem>>
        %dma_start3A = arith.constant 0 : i32
        %dma_start3A_44 = tpu.memref_slice %arg8[%add3A_39, %dma_start3A] : memref<10112x128xf32, #tpu.memory_space<vmem_shared>> -> memref<128x128xf32, #tpu.memory_space<vmem_shared>>
        %dma_start3A_45 = arith.constant 0 : i32
        %dma_start3A_46 = tpu.memref_slice %arg8[%add3A_39, %dma_start3A_45] : memref<10112x128xf32, #tpu.memory_space<vmem_shared>> -> memref<128x128xf32, #tpu.memory_space<vmem_shared>>
        tpu.enqueue_dma source(%dma_start3A_46 : memref<128x128xf32, #tpu.memory_space<vmem_shared>>) target(%arg12 : memref<128x128xf32, #tpu.memory_space<vmem>>) target_semaphore(%run_scoped3A : memref<!tpu.dma_semaphore, #tpu.memory_space<semaphore_mem>>)
        %dma_wait3A = arith.constant 0 : i32
        %dma_wait3A_47 = tpu.memref_slice %arg8[%add3A_39, %dma_wait3A] : memref<10112x128xf32, #tpu.memory_space<vmem_shared>> -> memref<128x128xf32, #tpu.memory_space<vmem_shared>>
        %dma_wait3A_48 = arith.constant 0 : i32
        %dma_wait3A_49 = tpu.memref_slice %arg8[%add3A_39, %dma_wait3A_48] : memref<10112x128xf32, #tpu.memory_space<vmem_shared>> -> memref<128x128xf32, #tpu.memory_space<vmem_shared>>
        tpu.wait_dma2 semaphore(%run_scoped3A : memref<!tpu.dma_semaphore, #tpu.memory_space<semaphore_mem>>) src(%dma_wait3A_49 : memref<128x128xf32, #tpu.memory_space<vmem_shared>>) dst(%arg12 : memref<128x128xf32, #tpu.memory_space<vmem>>)
        tpu.yield
      }) : () -> ()
      %mul3A_40 = arith.constant 10112 : i32
      %mul3A_41 = arith.muli %arg0, %mul3A_40 : i32
      %add3A_42 = arith.addi %mul3A_41, %add3A_39 : i32
      "tpu.region"() ({
        %run_scoped3A = tpu.sem_alloc : memref<!tpu.dma_semaphore, #tpu.memory_space<semaphore_mem>>
        %dma_start3A = arith.constant 0 : i32
        %dma_start3A_44 = tpu.memref_slice %arg7[%add3A_42, %dma_start3A] : memref<20224x128xf32, #tpu.memory_space<hbm>> -> memref<128x128xf32, #tpu.memory_space<hbm>>
        %dma_start3A_45 = arith.constant 0 : i32
        %dma_start3A_46 = tpu.memref_slice %arg7[%add3A_42, %dma_start3A_45] : memref<20224x128xf32, #tpu.memory_space<hbm>> -> memref<128x128xf32, #tpu.memory_space<hbm>>
        tpu.enqueue_dma source(%arg12 : memref<128x128xf32, #tpu.memory_space<vmem>>) target(%dma_start3A_46 : memref<128x128xf32, #tpu.memory_space<hbm>>) target_semaphore(%run_scoped3A : memref<!tpu.dma_semaphore, #tpu.memory_space<semaphore_mem>>)
        %dma_wait3A = arith.constant 0 : i32
        %dma_wait3A_47 = tpu.memref_slice %arg7[%add3A_42, %dma_wait3A] : memref<20224x128xf32, #tpu.memory_space<hbm>> -> memref<128x128xf32, #tpu.memory_space<hbm>>
        %dma_wait3A_48 = arith.constant 0 : i32
        %dma_wait3A_49 = tpu.memref_slice %arg7[%add3A_42, %dma_wait3A_48] : memref<20224x128xf32, #tpu.memory_space<hbm>> -> memref<128x128xf32, #tpu.memory_space<hbm>>
        tpu.wait_dma2 semaphore(%run_scoped3A : memref<!tpu.dma_semaphore, #tpu.memory_space<semaphore_mem>>) src(%arg12 : memref<128x128xf32, #tpu.memory_space<vmem>>) dst(%dma_wait3A_49 : memref<128x128xf32, #tpu.memory_space<hbm>>)
        tpu.yield
      }) : () -> ()
      %scan3A_43 = arith.constant 0 : i32
      scf.yield %scan3A_43 : i32
    }
    %scan3A_25 = arith.constant 4 : i32
    %mul3A_26 = arith.constant 632 : i32
    %mul3A_27 = arith.muli %arg1, %mul3A_26 : i32
    %add3A_28 = arith.constant 512 : i32
    %add3A_29 = arith.addi %mul3A_27, %add3A_28 : i32
    "tpu.region"() ({
      %run_scoped3A = tpu.sem_alloc : memref<!tpu.dma_semaphore, #tpu.memory_space<semaphore_mem>>
      %dma_start3A = arith.constant 0 : i32
      %dma_start3A_33 = arith.constant 0 : i32
      %dma_start3A_34 = tpu.memref_slice %arg12[%dma_start3A, %dma_start3A_33] : memref<128x128xf32, #tpu.memory_space<vmem>> -> memref<120x128xf32, #tpu.memory_space<vmem>>
      %dma_start3A_35 = arith.constant 0 : i32
      %dma_start3A_36 = tpu.memref_slice %arg8[%add3A_29, %dma_start3A_35] : memref<10112x128xf32, #tpu.memory_space<vmem_shared>> -> memref<120x128xf32, #tpu.memory_space<vmem_shared>>
      %dma_start3A_37 = arith.constant 0 : i32
      %dma_start3A_38 = arith.constant 0 : i32
      %dma_start3A_39 = tpu.memref_slice %arg12[%dma_start3A_37, %dma_start3A_38] : memref<128x128xf32, #tpu.memory_space<vmem>> -> memref<120x128xf32, #tpu.memory_space<vmem>>
      %dma_start3A_40 = arith.constant 0 : i32
      %dma_start3A_41 = tpu.memref_slice %arg8[%add3A_29, %dma_start3A_40] : memref<10112x128xf32, #tpu.memory_space<vmem_shared>> -> memref<120x128xf32, #tpu.memory_space<vmem_shared>>
      tpu.enqueue_dma source(%dma_start3A_41 : memref<120x128xf32, #tpu.memory_space<vmem_shared>>) target(%dma_start3A_39 : memref<120x128xf32, #tpu.memory_space<vmem>>) target_semaphore(%run_scoped3A : memref<!tpu.dma_semaphore, #tpu.memory_space<semaphore_mem>>)
      %dma_wait3A = arith.constant 0 : i32
      %dma_wait3A_42 = arith.constant 0 : i32
      %dma_wait3A_43 = tpu.memref_slice %arg12[%dma_wait3A, %dma_wait3A_42] : memref<128x128xf32, #tpu.memory_space<vmem>> -> memref<120x128xf32, #tpu.memory_space<vmem>>
      %dma_wait3A_44 = arith.constant 0 : i32
      %dma_wait3A_45 = tpu.memref_slice %arg8[%add3A_29, %dma_wait3A_44] : memref<10112x128xf32, #tpu.memory_space<vmem_shared>> -> memref<120x128xf32, #tpu.memory_space<vmem_shared>>
      %dma_wait3A_46 = arith.constant 0 : i32
      %dma_wait3A_47 = arith.constant 0 : i32
      %dma_wait3A_48 = tpu.memref_slice %arg12[%dma_wait3A_46, %dma_wait3A_47] : memref<128x128xf32, #tpu.memory_space<vmem>> -> memref<120x128xf32, #tpu.memory_space<vmem>>
      %dma_wait3A_49 = arith.constant 0 : i32
      %dma_wait3A_50 = tpu.memref_slice %arg8[%add3A_29, %dma_wait3A_49] : memref<10112x128xf32, #tpu.memory_space<vmem_shared>> -> memref<120x128xf32, #tpu.memory_space<vmem_shared>>
      tpu.wait_dma2 semaphore(%run_scoped3A : memref<!tpu.dma_semaphore, #tpu.memory_space<semaphore_mem>>) src(%dma_wait3A_50 : memref<120x128xf32, #tpu.memory_space<vmem_shared>>) dst(%dma_wait3A_48 : memref<120x128xf32, #tpu.memory_space<vmem>>)
      tpu.yield
    }) : () -> ()
    %mul3A_30 = arith.constant 10112 : i32
    %mul3A_31 = arith.muli %arg0, %mul3A_30 : i32
    %add3A_32 = arith.addi %mul3A_31, %add3A_29 : i32
    "tpu.region"() ({
      %run_scoped3A = tpu.sem_alloc : memref<!tpu.dma_semaphore, #tpu.memory_space<semaphore_mem>>
      %dma_start3A = arith.constant 0 : i32
      %dma_start3A_33 = arith.constant 0 : i32
      %dma_start3A_34 = tpu.memref_slice %arg12[%dma_start3A, %dma_start3A_33] : memref<128x128xf32, #tpu.memory_space<vmem>> -> memref<120x128xf32, #tpu.memory_space<vmem>>
      %dma_start3A_35 = arith.constant 0 : i32
      %dma_start3A_36 = tpu.memref_slice %arg7[%add3A_32, %dma_start3A_35] : memref<20224x128xf32, #tpu.memory_space<hbm>> -> memref<120x128xf32, #tpu.memory_space<hbm>>
      %dma_start3A_37 = arith.constant 0 : i32
      %dma_start3A_38 = tpu.memref_slice %arg7[%add3A_32, %dma_start3A_37] : memref<20224x128xf32, #tpu.memory_space<hbm>> -> memref<120x128xf32, #tpu.memory_space<hbm>>
      %dma_start3A_39 = arith.constant 0 : i32
      %dma_start3A_40 = arith.constant 0 : i32
      %dma_start3A_41 = tpu.memref_slice %arg12[%dma_start3A_39, %dma_start3A_40] : memref<128x128xf32, #tpu.memory_space<vmem>> -> memref<120x128xf32, #tpu.memory_space<vmem>>
      tpu.enqueue_dma source(%dma_start3A_41 : memref<120x128xf32, #tpu.memory_space<vmem>>) target(%dma_start3A_38 : memref<120x128xf32, #tpu.memory_space<hbm>>) target_semaphore(%run_scoped3A : memref<!tpu.dma_semaphore, #tpu.memory_space<semaphore_mem>>)
      %dma_wait3A = arith.constant 0 : i32
      %dma_wait3A_42 = arith.constant 0 : i32
      %dma_wait3A_43 = tpu.memref_slice %arg12[%dma_wait3A, %dma_wait3A_42] : memref<128x128xf32, #tpu.memory_space<vmem>> -> memref<120x128xf32, #tpu.memory_space<vmem>>
      %dma_wait3A_44 = arith.constant 0 : i32
      %dma_wait3A_45 = tpu.memref_slice %arg7[%add3A_32, %dma_wait3A_44] : memref<20224x128xf32, #tpu.memory_space<hbm>> -> memref<120x128xf32, #tpu.memory_space<hbm>>
      %dma_wait3A_46 = arith.constant 0 : i32
      %dma_wait3A_47 = tpu.memref_slice %arg7[%add3A_32, %dma_wait3A_46] : memref<20224x128xf32, #tpu.memory_space<hbm>> -> memref<120x128xf32, #tpu.memory_space<hbm>>
      %dma_wait3A_48 = arith.constant 0 : i32
      %dma_wait3A_49 = arith.constant 0 : i32
      %dma_wait3A_50 = tpu.memref_slice %arg12[%dma_wait3A_48, %dma_wait3A_49] : memref<128x128xf32, #tpu.memory_space<vmem>> -> memref<120x128xf32, #tpu.memory_space<vmem>>
      tpu.wait_dma2 semaphore(%run_scoped3A : memref<!tpu.dma_semaphore, #tpu.memory_space<semaphore_mem>>) src(%dma_wait3A_50 : memref<120x128xf32, #tpu.memory_space<vmem>>) dst(%dma_wait3A_47 : memref<120x128xf32, #tpu.memory_space<hbm>>)
      tpu.yield
    }) : () -> ()
    return
  }
}

module attributes {stable_mosaic.version = 14 : i64} {
  func.func @_y_body(%arg0: i32, %arg1: memref<1000x2xf32, #tpu.memory_space<vmem>>, %arg2: memref<1000x128xf32, #tpu.memory_space<vmem>>, %arg3: memref<1000x128xf32, #tpu.memory_space<vmem>>) attributes {dimension_semantics = [#tpu.dimension_semantics<arbitrary>], iteration_bounds = array<i64: 10>, scalar_prefetch = 0 : i64, scratch_operands = 0 : i64, tpu.core_type = #tpu.core_type<tc>, window_params = [{transform_indices = @transform_0, window_bounds = array<i64: 1000, 2>}, {transform_indices = @transform_1, window_bounds = array<i64: 1000, 128>}, {transform_indices = @transform_2, window_bounds = array<i64: 1000, 128>}]} {
    %get3A = arith.constant 0 : index
    %get3A_0 = arith.constant 0 : index
    %get3A_1 = vector.load %arg1[%get3A, %get3A_0] : memref<1000x2xf32, #tpu.memory_space<vmem>>, vector<1000x2xf32>
    %slice3A = vector.extract_strided_slice %get3A_1 {offsets = [0, 0], sizes = [1000, 1], strides = [1, 1]} : vector<1000x2xf32> to vector<1000x1xf32>
    %add3A = arith.constant 1.000000e+00 : f32
    %add3A_2 = vector.broadcast %add3A : f32 to vector<1000x1xf32>
    %add3A_3 = arith.addf %add3A_2, %slice3A : vector<1000x1xf32>
    %slice3A_4 = vector.extract_strided_slice %get3A_1 {offsets = [0, 1], sizes = [1000, 1], strides = [1, 1]} : vector<1000x2xf32> to vector<1000x1xf32>
    %add3A_5 = arith.addf %add3A_3, %slice3A_4 : vector<1000x1xf32>
    %gt3A = arith.constant 0.000000e+00 : f32
    %gt3A_6 = vector.broadcast %gt3A : f32 to vector<1000x1xf32>
    %gt3A_7 = arith.cmpf ogt, %add3A_5, %gt3A_6 : vector<1000x1xf32>
    %rsqrt3A = math.rsqrt %add3A_5 : vector<1000x1xf32>
    %jit3A = arith.constant 0.000000e+00 : f32
    %broadcast_in_dim3A = vector.broadcast %jit3A : f32 to vector<1000x1xf32>
    %select_n3A = arith.select %gt3A_7, %rsqrt3A, %broadcast_in_dim3A : vector<1000x1xi1>, vector<1000x1xf32>
    %get3A_8 = arith.constant 0 : index
    %get3A_9 = arith.constant 0 : index
    %get3A_10 = vector.load %arg2[%get3A_8, %get3A_9] : memref<1000x128xf32, #tpu.memory_space<vmem>>, vector<1000x128xf32>
    %mul3A = vector.broadcast %select_n3A : vector<1000x1xf32> to vector<1000x128xf32>
    %mul3A_11 = arith.mulf %get3A_10, %mul3A : vector<1000x128xf32>
    %swap3A = arith.constant 0 : index
    %swap3A_12 = arith.constant 0 : index
    %swap3A_13 = vector.load %arg3[%swap3A, %swap3A_12] : memref<1000x128xf32, #tpu.memory_space<vmem>>, vector<1000x128xf32>
    tpu.vector_store %arg3[%swap3A, %swap3A_12], %mul3A_11 {strides = array<i32>} : memref<1000x128xf32, #tpu.memory_space<vmem>>, vector<1000x128xf32>,
    return
  }
  func.func @transform_0(%arg0: i32) -> (i32, i32) {
    %c0_i32 = arith.constant 0 : i32
    %c0_i32_0 = arith.constant 0 : i32
    return %arg0, %c0_i32 : i32, i32
  }
  func.func @transform_1(%arg0: i32) -> (i32, i32) {
    %c0_i32 = arith.constant 0 : i32
    %c0_i32_0 = arith.constant 0 : i32
    return %arg0, %c0_i32 : i32, i32
  }
  func.func @transform_2(%arg0: i32) -> (i32, i32) {
    %c0_i32 = arith.constant 0 : i32
    %c0_i32_0 = arith.constant 0 : i32
    return %arg0, %c0_i32 : i32, i32
  }
}

module attributes {stable_mosaic.version = 14 : i64} {
  func.func @_mlp_body(%arg0: i32, %arg1: memref<1000x2xf32, #tpu.memory_space<vmem>>, %arg2: memref<2x1000x128xf32, #tpu.memory_space<vmem>>, %arg3: memref<1000x128xf32, #tpu.memory_space<vmem>>, %arg4: memref<256x128xf32, #tpu.memory_space<vmem>>, %arg5: memref<1x256xf32, #tpu.memory_space<vmem>>, %arg6: memref<128x256xf32, #tpu.memory_space<vmem>>, %arg7: memref<1x128xf32, #tpu.memory_space<vmem>>, %arg8: memref<32x128xf32, #tpu.memory_space<vmem>>, %arg9: memref<1x32xf32, #tpu.memory_space<vmem>>, %arg10: memref<1000x32xf32, #tpu.memory_space<vmem>>) attributes {dimension_semantics = [#tpu.dimension_semantics<arbitrary>], iteration_bounds = array<i64: 10>, scalar_prefetch = 0 : i64, scratch_operands = 0 : i64, tpu.core_type = #tpu.core_type<tc>, window_params = [{transform_indices = @transform_0, window_bounds = array<i64: 1000, 2>}, {transform_indices = @transform_1, window_bounds = array<i64: 2, 1000, 128>}, {transform_indices = @transform_2, window_bounds = array<i64: 1000, 128>}, {pipeline_mode = #tpu.pipeline_mode<synchronous>, transform_indices = @transform_3, window_bounds = array<i64: 256, 128>}, {pipeline_mode = #tpu.pipeline_mode<synchronous>, transform_indices = @transform_4, window_bounds = array<i64: 1, 256>}, {pipeline_mode = #tpu.pipeline_mode<synchronous>, transform_indices = @transform_5, window_bounds = array<i64: 128, 256>}, {pipeline_mode = #tpu.pipeline_mode<synchronous>, transform_indices = @transform_6, window_bounds = array<i64: 1, 128>}, {pipeline_mode = #tpu.pipeline_mode<synchronous>, transform_indices = @transform_7, window_bounds = array<i64: 32, 128>}, {pipeline_mode = #tpu.pipeline_mode<synchronous>, transform_indices = @transform_8, window_bounds = array<i64: 1, 32>}, {transform_indices = @transform_9, window_bounds = array<i64: 1000, 32>}]} {
    %get3A = arith.constant 0 : index
    %get3A_0 = arith.constant 0 : index
    %get3A_1 = vector.load %arg1[%get3A, %get3A_0] : memref<1000x2xf32, #tpu.memory_space<vmem>>, vector<1000x2xf32>
    %slice3A = vector.extract_strided_slice %get3A_1 {offsets = [0, 0], sizes = [1000, 1], strides = [1, 1]} : vector<1000x2xf32> to vector<1000x1xf32>
    %add3A = arith.constant 1.000000e+00 : f32
    %add3A_2 = vector.broadcast %add3A : f32 to vector<1000x1xf32>
    %add3A_3 = arith.addf %add3A_2, %slice3A : vector<1000x1xf32>
    %slice3A_4 = vector.extract_strided_slice %get3A_1 {offsets = [0, 1], sizes = [1000, 1], strides = [1, 1]} : vector<1000x2xf32> to vector<1000x1xf32>
    %add3A_5 = arith.addf %add3A_3, %slice3A_4 : vector<1000x1xf32>
    %gt3A = arith.constant 0.000000e+00 : f32
    %gt3A_6 = vector.broadcast %gt3A : f32 to vector<1000x1xf32>
    %gt3A_7 = arith.cmpf ogt, %add3A_5, %gt3A_6 : vector<1000x1xf32>
    %rsqrt3A = math.rsqrt %add3A_5 : vector<1000x1xf32>
    %jit3A = arith.constant 0.000000e+00 : f32
    %broadcast_in_dim3A = vector.broadcast %jit3A : f32 to vector<1000x1xf32>
    %select_n3A = arith.select %gt3A_7, %rsqrt3A, %broadcast_in_dim3A : vector<1000x1xi1>, vector<1000x1xf32>
    %get3A_8 = arith.constant 0 : index
    %get3A_9 = arith.constant 0 : index
    %get3A_10 = arith.constant 0 : index
    %get3A_11 = vector.load %arg2[%get3A_8, %get3A_9, %get3A_10] : memref<2x1000x128xf32, #tpu.memory_space<vmem>>, vector<2x1000x128xf32>
    %slice3A_12 = vector.extract_strided_slice %get3A_11 {offsets = [0, 0, 0], sizes = [1, 1000, 128], strides = [1, 1, 1]} : vector<2x1000x128xf32> to vector<1x1000x128xf32>
    %squeeze3A = vector.shape_cast %slice3A_12 : vector<1x1000x128xf32> to vector<1000x128xf32>
    %slice3A_13 = vector.extract_strided_slice %get3A_11 {offsets = [1, 0, 0], sizes = [1, 1000, 128], strides = [1, 1, 1]} : vector<2x1000x128xf32> to vector<1x1000x128xf32>
    %squeeze3A_14 = vector.shape_cast %slice3A_13 : vector<1x1000x128xf32> to vector<1000x128xf32>
    %add3A_15 = arith.addf %squeeze3A, %squeeze3A_14 : vector<1000x128xf32>
    %get3A_16 = arith.constant 0 : index
    %get3A_17 = arith.constant 0 : index
    %get3A_18 = vector.load %arg3[%get3A_16, %get3A_17] : memref<1000x128xf32, #tpu.memory_space<vmem>>, vector<1000x128xf32>
    %add3A_19 = arith.addf %add3A_15, %get3A_18 : vector<1000x128xf32>
    %mul3A = vector.broadcast %select_n3A : vector<1000x1xf32> to vector<1000x128xf32>
    %mul3A_20 = arith.mulf %add3A_19, %mul3A : vector<1000x128xf32>
    %get3A_21 = arith.constant 0 : index
    %get3A_22 = arith.constant 0 : index
    %get3A_23 = vector.load %arg4[%get3A_21, %get3A_22] : memref<256x128xf32, #tpu.memory_space<vmem>>, vector<256x128xf32>
    %dot_general3A = arith.constant dense<0.000000e+00> : vector<1000x256xf32>
    %dot_general3A_24 = tpu.matmul %mul3A_20, %get3A_23, %dot_general3A {dimension_numbers = #tpu.dot_dimension_numbers<[1], [1], [0], [0], [0, 0, 1, 0], [], []>, transpose_lhs_hint = false} : vector<1000x128xf32>, vector<256x128xf32>, vector<1000x256xf32> -> vector<1000x256xf32>
    %get3A_25 = arith.constant 0 : index
    %get3A_26 = arith.constant 0 : index
    %get3A_27 = vector.load %arg5[%get3A_25, %get3A_26] : memref<1x256xf32, #tpu.memory_space<vmem>>, vector<1x256xf32>
    %add3A_28 = vector.broadcast %get3A_27 : vector<1x256xf32> to vector<1000x256xf32>
    %add3A_29 = arith.addf %dot_general3A_24, %add3A_28 : vector<1000x256xf32>
    %neg3A = arith.constant 0.000000e+00 : f32
    %neg3A_30 = vector.broadcast %neg3A : f32 to vector<1000x256xf32>
    %neg3A_31 = arith.subf %neg3A_30, %add3A_29 : vector<1000x256xf32>
    %exp3A = math.exp %neg3A_31 : vector<1000x256xf32>
    %add3A_32 = arith.constant 1.000000e+00 : f32
    %add3A_33 = vector.broadcast %add3A_32 : f32 to vector<1000x256xf32>
    %add3A_34 = arith.addf %add3A_33, %exp3A : vector<1000x256xf32>
    %div3A = arith.constant 1.000000e+00 : f32
    %div3A_35 = vector.broadcast %div3A : f32 to vector<1000x256xf32>
    %div3A_36 = arith.divf %div3A_35, %add3A_34 : vector<1000x256xf32>
    %mul3A_37 = arith.mulf %add3A_29, %div3A_36 : vector<1000x256xf32>
    %get3A_38 = arith.constant 0 : index
    %get3A_39 = arith.constant 0 : index
    %get3A_40 = vector.load %arg6[%get3A_38, %get3A_39] : memref<128x256xf32, #tpu.memory_space<vmem>>, vector<128x256xf32>
    %dot_general3A_41 = arith.constant dense<0.000000e+00> : vector<1000x128xf32>
    %dot_general3A_42 = tpu.matmul %mul3A_37, %get3A_40, %dot_general3A_41 {dimension_numbers = #tpu.dot_dimension_numbers<[1], [1], [0], [0], [0, 0, 1, 0], [], []>, transpose_lhs_hint = false} : vector<1000x256xf32>, vector<128x256xf32>, vector<1000x128xf32> -> vector<1000x128xf32>
    %get3A_43 = arith.constant 0 : index
    %get3A_44 = arith.constant 0 : index
    %get3A_45 = vector.load %arg7[%get3A_43, %get3A_44] : memref<1x128xf32, #tpu.memory_space<vmem>>, vector<1x128xf32>
    %add3A_46 = vector.broadcast %get3A_45 : vector<1x128xf32> to vector<1000x128xf32>
    %add3A_47 = arith.addf %dot_general3A_42, %add3A_46 : vector<1000x128xf32>
    %gt3A_48 = arith.constant 0.000000e+00 : f32
    %gt3A_49 = vector.broadcast %gt3A_48 : f32 to vector<1000x128xf32>
    %gt3A_50 = arith.cmpf ogt, %add3A_47, %gt3A_49 : vector<1000x128xf32>
    %exp3A_51 = math.exp %add3A_47 : vector<1000x128xf32>
    %sub3A = arith.constant 1.000000e+00 : f32
    %sub3A_52 = vector.broadcast %sub3A : f32 to vector<1000x128xf32>
    %sub3A_53 = arith.subf %exp3A_51, %sub3A_52 : vector<1000x128xf32>
    %select_n3A_54 = arith.select %gt3A_50, %add3A_47, %sub3A_53 : vector<1000x128xi1>, vector<1000x128xf32>
    %get3A_55 = arith.constant 0 : index
    %get3A_56 = arith.constant 0 : index
    %get3A_57 = vector.load %arg8[%get3A_55, %get3A_56] : memref<32x128xf32, #tpu.memory_space<vmem>>, vector<32x128xf32>
    %dot_general3A_58 = arith.constant dense<0.000000e+00> : vector<1000x32xf32>
    %dot_general3A_59 = tpu.matmul %select_n3A_54, %get3A_57, %dot_general3A_58 {dimension_numbers = #tpu.dot_dimension_numbers<[1], [1], [0], [0], [0, 0, 1, 0], [], []>, transpose_lhs_hint = false} : vector<1000x128xf32>, vector<32x128xf32>, vector<1000x32xf32> -> vector<1000x32xf32>
    %get3A_60 = arith.constant 0 : index
    %get3A_61 = arith.constant 0 : index
    %get3A_62 = vector.load %arg9[%get3A_60, %get3A_61] : memref<1x32xf32, #tpu.memory_space<vmem>>, vector<1x32xf32>
    %add3A_63 = vector.broadcast %get3A_62 : vector<1x32xf32> to vector<1000x32xf32>
    %add3A_64 = arith.addf %dot_general3A_59, %add3A_63 : vector<1000x32xf32>
    %reduce_max3A = arith.constant dense<0xFF800000> : vector<1000xf32>
    %reduce_max3A_65 = vector.multi_reduction <maximumf>, %add3A_64, %reduce_max3A [1] : vector<1000x32xf32> to vector<1000xf32>
    %broadcast_in_dim3A_66 = vector.shape_cast %reduce_max3A_65 : vector<1000xf32> to vector<1000x1xf32>
    %sub3A_67 = vector.broadcast %broadcast_in_dim3A_66 : vector<1000x1xf32> to vector<1000x32xf32>
    %sub3A_68 = arith.subf %add3A_64, %sub3A_67 : vector<1000x32xf32>
    %exp3A_69 = math.exp %sub3A_68 : vector<1000x32xf32>
    %reduce_sum3A = arith.constant dense<0.000000e+00> : vector<1000xf32>
    %reduce_sum3A_70 = vector.multi_reduction <add>, %exp3A_69, %reduce_sum3A [1] : vector<1000x32xf32> to vector<1000xf32>
    %broadcast_in_dim3A_71 = vector.shape_cast %reduce_sum3A_70 : vector<1000xf32> to vector<1000x1xf32>
    %div3A_72 = vector.broadcast %broadcast_in_dim3A_71 : vector<1000x1xf32> to vector<1000x32xf32>
    %div3A_73 = arith.divf %exp3A_69, %div3A_72 : vector<1000x32xf32>
    %swap3A = arith.constant 0 : index
    %swap3A_74 = arith.constant 0 : index
    %swap3A_75 = vector.load %arg10[%swap3A, %swap3A_74] : memref<1000x32xf32, #tpu.memory_space<vmem>>, vector<1000x32xf32>
    tpu.vector_store %arg10[%swap3A, %swap3A_74], %div3A_73 {strides = array<i32>} : memref<1000x32xf32, #tpu.memory_space<vmem>>, vector<1000x32xf32>,
    return
  }
  func.func @transform_0(%arg0: i32) -> (i32, i32) {
    %c0_i32 = arith.constant 0 : i32
    %c0_i32_0 = arith.constant 0 : i32
    return %arg0, %c0_i32 : i32, i32
  }
  func.func @transform_1(%arg0: i32) -> (i32, i32, i32) {
    %c0_i32 = arith.constant 0 : i32
    %c0_i32_0 = arith.constant 0 : i32
    %c0_i32_1 = arith.constant 0 : i32
    return %c0_i32, %arg0, %c0_i32_0 : i32, i32, i32
  }
  func.func @transform_2(%arg0: i32) -> (i32, i32) {
    %c0_i32 = arith.constant 0 : i32
    %c0_i32_0 = arith.constant 0 : i32
    return %arg0, %c0_i32 : i32, i32
  }
  func.func @transform_3(%arg0: i32) -> (i32, i32) {
    %c0_i32 = arith.constant 0 : i32
    %c0_i32_0 = arith.constant 0 : i32
    %c0_i32_1 = arith.constant 0 : i32
    return %c0_i32, %c0_i32_0 : i32, i32
  }
  func.func @transform_4(%arg0: i32) -> (i32, i32) {
    %c0_i32 = arith.constant 0 : i32
    %c0_i32_0 = arith.constant 0 : i32
    %c0_i32_1 = arith.constant 0 : i32
    return %c0_i32, %c0_i32_0 : i32, i32
  }
  func.func @transform_5(%arg0: i32) -> (i32, i32) {
    %c0_i32 = arith.constant 0 : i32
    %c0_i32_0 = arith.constant 0 : i32
    %c0_i32_1 = arith.constant 0 : i32
    return %c0_i32, %c0_i32_0 : i32, i32
  }
  func.func @transform_6(%arg0: i32) -> (i32, i32) {
    %c0_i32 = arith.constant 0 : i32
    %c0_i32_0 = arith.constant 0 : i32
    %c0_i32_1 = arith.constant 0 : i32
    return %c0_i32, %c0_i32_0 : i32, i32
  }
  func.func @transform_7(%arg0: i32) -> (i32, i32) {
    %c0_i32 = arith.constant 0 : i32
    %c0_i32_0 = arith.constant 0 : i32
    %c0_i32_1 = arith.constant 0 : i32
    return %c0_i32, %c0_i32_0 : i32, i32
  }
  func.func @transform_8(%arg0: i32) -> (i32, i32) {
    %c0_i32 = arith.constant 0 : i32
    %c0_i32_0 = arith.constant 0 : i32
    %c0_i32_1 = arith.constant 0 : i32
    return %c0_i32, %c0_i32_0 : i32, i32
  }
  func.func @transform_9(%arg0: i32) -> (i32, i32) {
    %c0_i32 = arith.constant 0 : i32
    %c0_i32_0 = arith.constant 0 : i32
    return %arg0, %c0_i32 : i32, i32
  }
}

</mosaic_0001>

<sc_bundles>
// kernel: kernel.6.cloned.1.call-start
scs
__scs_entry_jumppad:
0x0: {  	(pc) =	sbr.rel $0x88, $3  }
0x1: {  	(tag) =	ssettag $0x0;
	lr =	simm.s32 $0x1  }
0x2: {  	[smem:$0x3F97] =	sst lr;
	_ =	strace $0xD0000000  }
0x3: {  	_ = 	snop  }
0x4: {  	_ = 	snop  }
0x5: {  	_ = 	snop  }
0x6: {  	_ = 	snop  }
0x7: {  	_ = 	snop  }
__scs_overlays_trampoline_lowered:
0x8: {  	[smem:$0x3FA6] =	sst s0  }
0x9: {  	[smem:$0x3FA7] =	sst s1  }
0xa: {  	[smem:$0x3FA8] =	sst s2  }
0xb: {  	[smem:$0x3FA9] =	sst s3  }
0xc: {  	[smem:$0x3FAA] =	sst s4  }
0xd: {  	[smem:$0x3FAB] =	sst s5  }
0xe: {  	[smem:$0x3FAC] =	sst s6  }
0xf: {  	[smem:$0x3FAD] =	sst s7  }
0x10: {  	[smem:$0x3FAE] =	sst s8  }
0x11: {  	[smem:$0x3FAF] =	sst s9;
	s0 =	simm.s32 @!p0 $0x0  }
0x12: {  	s1 =	sld [smem:$0x3F95];
	s0 =	simm.s32 @p0 $0x1  }
0x13: {  	[smem:$0x3FB0] =	sst s0;
	s0 =	simm.s32 @!p1 $0x0  }
0x14: {  	s2 =	sld [smem:$0x3F94];
	s0 =	simm.s32 @p1 $0x1  }
0x15: {  	[smem:$0x3FB1] =	sst s0;
	s0 =	simm.s32 @!p2 $0x0  }
0x16: {  	s3 =	sld [smem:$0x3FDB];
	s0 =	simm.s32 @p2 $0x1  }
0x17: {  	s4 =	simm.s32 $0x1BF5;
	[smem:$0x3FB3] =	sst s0  }
0x18: {  	s0 =	sld [smem:$0x3F96];
	_ =	swait.ge [sflag:s4], $0x0  }
0x19: {  	s7 =	sld [smem:$0x3F97]  }
0x1a: {  	s8 =	sadd.s32 $0xFFFFE003, lr  }
0x1b: {  	s9 =	sadd.s32 $0xFFFFFEF7, lr;
	s5 =	simm.s32 $0xFFFFFFFF;
	p2 =	slt.u32 s8, $0xFFFFF086  }
0x1c: {  	p1 =	slt.u32 s9, $0xF7A;
	s5 =	simm.s32 @!p2 $0x0  }
0x1d: {  	s5 =	simm.s32 @p1 $0x1;
	p0 =	seq.s32 s7, s2  }
0x1e: {  	s7 =	smul.u32 @!p0 $0xF7A, s2;
	p2 =	seq.s32 @!p0 s5, $0x0  }
0x1f: {  	s9 =	smul.u32 $0xF7A, s1;
	s8 =	simm.s32 @!p0 $0x1BF5;
	p2 =	por !p2, p0  }
0x20: {  	[sflag:s8] =	ssyncset.s32 @!p0 $0xFFFFF086;
	s6 =	sadd.s32 @!p0 s3, s7;
	s7 =	simm.s32 @!p0 $0x108  }
0x21: {  	s3 =	sadd.s32 s3, s9;
	s6 =	sadd.s32 @!p0 $0x88, s6;
	s7 =	simm.s32 @p2 $0x1082  }
0x22: {  	[simem:s7], [sflag:s8] =	dma.local @!p0 [hbm:s6], $0xF7A  }
0x23: {  	s9 =	sor.u32 $0xD0000000, s2;
	s6 =	simm.s32 $0x108;
	_ =	swait.ge @!p0 [sflag:s8], $0x0  }
0x24: {  	s3 =	sadd.s32 $0x88, s3;
	s6 =	simm.s32 @!p1 $0x1082;
	[sflag:s4] =	ssyncset.s32 $0xFFFFF086  }
0x25: {  	[simem:s6], [sflag:s4] =	dma.local [hbm:s3], $0xF7A  }
0x26: {  	[smem:$0x3F97] =	sst s1;
	(tag) =	ssettag s2;
	_ =	strace s9  }
0x27: {  	s1 =	sld [smem:$0x3FA7]  }
0x28: {  	s2 =	sld [smem:$0x3FA8]  }
0x29: {  	s4 =	sld [smem:$0x3FAA]  }
0x2a: {  	p0 =	seq.s32 s5, $0x0;
	s5 =	sld [smem:$0x3FAB]  }
0x2b: {  	s6 =	sld [smem:$0x3FAC]  }
0x2c: {  	s7 =	sld [smem:$0x3FAD]  }
0x2d: {  	s3 =	simm.s32 $0x108;
	s8 =	sld [smem:$0x3FAE]  }
0x2e: {  	s3 =	simm.s32 @!p0 $0x1082;
	s9 =	sld [smem:$0x3FAF]  }
0x2f: {  	lr =	sadd.s32 s0, s3;
	s0 =	sld [smem:$0x3FA6]  }
0x30: {  	s3 =	sld [smem:$0x3FA9]  }
0x31: {  	[smem:$0x3FB2] =	sst s10  }
0x32: {  	s10 =	sld [smem:$0x3FB0];
	_ =	sdelay $0x3  }
0x33: {  	p0 =	seq.s32 s10, $0x1;
	s10 =	sld [smem:$0x3FB2];
	_ =	sdelay $0x3  }
0x34: {  	[smem:$0x3FB2] =	sst s10  }
0x35: {  	s10 =	sld [smem:$0x3FB1];
	_ =	sdelay $0x3  }
0x36: {  	p1 =	seq.s32 s10, $0x1;
	s10 =	sld [smem:$0x3FB2];
	_ =	sdelay $0x3  }
0x37: {  	[smem:$0x3FB2] =	sst s10  }
0x38: {  	s10 =	sld [smem:$0x3FB3]  }
0x39: {  	_ = 	snop;
	(pc) =	sbr.ind lr, $3  }
0x3a: {  	_ = 	snop  }
0x3b: {  	_ = 	snop  }
0x3c: {  	p2 =	seq.s32 s10, $0x1;
	s10 =	sld [smem:$0x3FB2]  }
0x3d: {  	_ =	shalt  }
0x3e: {  	_ =	shalt  }
0x3f: {  	_ =	shalt  }
0x40: {  	_ =	shalt  }
0x41: {  	_ =	shalt  }
0x42: {  	_ =	shalt  }
0x43: {  	_ =	shalt  }
0x44: {  	_ =	shalt  }
0x45: {  	_ =	shalt  }
0x46: {  	_ =	shalt  }
0x47: {  	_ =	shalt  }
0x48: {  	_ =	shalt  }
0x49: {  	_ =	shalt  }
0x4a: {  	_ =	shalt  }
0x4b: {  	_ =	shalt  }
0x4c: {  	_ =	shalt  }
0x4d: {  	_ =	shalt  }
0x4e: {  	_ =	shalt  }
0x4f: {  	_ =	shalt  }
0x50: {  	_ =	shalt  }
0x51: {  	_ =	shalt  }
0x52: {  	_ =	shalt  }
0x53: {  	_ =	shalt  }
0x54: {  	_ =	shalt  }
0x55: {  	_ =	shalt  }
0x56: {  	_ =	shalt  }
0x57: {  	_ =	shalt  }
0x58: {  	_ =	shalt  }
0x59: {  	_ =	shalt  }
0x5a: {  	_ =	shalt  }
0x5b: {  	_ =	shalt  }
0x5c: {  	_ =	shalt  }
0x5d: {  	_ =	shalt  }
0x5e: {  	_ =	shalt  }
0x5f: {  	_ =	shalt  }
0x60: {  	_ =	shalt  }
0x61: {  	_ =	shalt  }
0x62: {  	_ =	shalt  }
0x63: {  	_ =	shalt  }
0x64: {  	_ =	shalt  }
0x65: {  	_ =	shalt  }
0x66: {  	_ =	shalt  }
0x67: {  	_ =	shalt  }
0x68: {  	_ =	shalt  }
0x69: {  	_ =	shalt  }
0x6a: {  	_ =	shalt  }
0x6b: {  	_ =	shalt  }
0x6c: {  	_ =	shalt  }
0x6d: {  	_ =	shalt  }
0x6e: {  	_ =	shalt  }
0x6f: {  	_ =	shalt  }
0x70: {  	_ =	shalt  }
0x71: {  	_ =	shalt  }
0x72: {  	_ =	shalt  }
0x73: {  	_ =	shalt  }
0x74: {  	_ =	shalt  }
0x75: {  	_ =	shalt  }
0x76: {  	_ =	shalt  }
0x77: {  	_ =	shalt  }
0x78: {  	_ =	shalt  }
0x79: {  	_ =	shalt  }
0x7a: {  	_ =	shalt  }
0x7b: {  	_ =	shalt  }
0x7c: {  	_ =	shalt  }
0x7d: {  	_ =	shalt  }
0x7e: {  	_ =	shalt  }
0x7f: {  	_ =	shalt  }
0x80: {  	_ =	shalt  }
0x81: {  	_ =	shalt  }
0x82: {  	_ =	shalt  }
0x83: {  	_ =	shalt  }
0x84: {  	_ =	shalt  }
0x85: {  	_ =	shalt  }
0x86: {  	_ =	shalt  }
0x87: {  	_ =	shalt  }
.Lfunc_end0:
.L_simem_size_0:
called_computation_lowered:
.L_overlay_start_0:
0x88: {  	s2 =	sld [smem:$0x3FD9]  }
0x89: {  	s3 =	sld [smem:$0x3FFE];
	_ =	sdelay $0x1  }
0x8a: {  	s1 =	srdreg.scid  }
0x8b: {  	s0 =	sand.u32 $0x1, s1  }
0x8c: {  	s14 =	sshll.u32 s0, $0xA;
	s2 =	sadd.s32 s3, s2  }
0x8d: {  	s2 =	sadd.s32 s2, s14  }
0x8e: {  	[smem:$0x3FBE] =	sst s2  }
0x8f: {  	_ = 	snop  }
0x90: {  	s2 =	sld [smem:$0x3FD0];
	_ =	sdelay $0x2  }
0x91: {  	s15 =	simm.s32 $0xA;
	s4 =	simm.s32 $0x10  }
0x92: {  	[smem:s4], [sflag:s15] =	dma.local [hbm:s2], $0x1  }
0x93: {  	_ =	swait.eq [sflag:s15], $0x1  }
0x94: {  	[sflag:s15] =	ssyncset.done $0x0  }
0x95: {  	[sflag:s15] =	ssyncadd.s32 $0xFFFFFFFF  }
0x96: {  	s16 =	sld [smem:$0x11];
	(tm) =	ssettm $0x1  }
0x97: {  	s17 =	sld [smem:$0x3FFB];
	_ =	sdelay $0x3  }
0x98: {  	_ =	strace s17  }
0x99: {  	s3 =	sld [smem:$0x3FFC];
	_ =	sdelay $0x3  }
0x9a: {  	_ =	strace s3  }
0x9b: {  	s3 =	sld [smem:$0x3FFD];
	_ =	sdelay $0x3  }
0x9c: {  	_ =	strace s3  }
0x9d: {  	_ =	strace $0x8FFFFFFF  }
0x9e: {  	s18 =	sld [smem:$0x3FDB];
	_ =	sdelay $0x1  }
0x9f: {  	s19 =	simm.s32 $_scs_section_size  }
0xa0: {  	s5 =	simm.s32 $_size__tile_overlayer_lowered;
	s6 =	simm.s32 $_tile_overlayer_lowered  }
0xa1: {  	s22 =	simm.s32 $0x1BFF;
	s21 =	sshll.u32 s6, $0x1;
	s3 =	sadd.s32 s19, s18  }
0xa2: {  	s7 =	simm.s32 $0x0;
	s20 =	sshll.u32 s5, $0x1;
	s5 =	sadd.s32 s21, s3  }
0xa3: {  	[timem:s7], [sflag:s22] =	dma.local [hbm:s5], s20  }
0xa4: {  	_ =	swait.ge [sflag:s22], s20  }
0xa5: {  	s4 =	ssub.s32 $0x0, s20;
	[sflag:s22] =	ssyncset.done $0x0  }
0xa6: {  	[sflag:s22] =	ssyncadd.s32 s4;
	_ =	sdelay $0x1  }
0xa7: {  	s23 =	simm.s32 $0x1B8B  }
0xa8: {  	_ =	swait.ge [sflag:s23], $0x1  }
0xa9: {  	[sflag:s23] =	ssyncset.done $0x0  }
0xaa: {  	s25 =	simm.s32 $0x1B8E;
	s24 =	sld [smem:$0x3FFE];
	[sflag:s23] =	ssyncadd.s32 $0xFFFFFFFF  }
0xab: {  	s26 =	simm.s32 $execute0_lowered;
	[smem:$0x3FD2] =	sst s25  }
0xac: {  	s5 =	sshll.u32 s26, $0x1;
	_ =	strace $0x80000046;
	[dreg:$0x1] =	wrdreg $0xFFFFFFFF  }
0xad: {  	s28 =	simm.s32 $_size_execute0_lowered;
	s3 =	sadd.s32 s3, s5;
	[dreg:$0x0] =	wrdreg $0x0  }
0xae: {  	s5 =	sshll.u32 s28, $0x1;
	[dreg:$0x2] =	wrdreg s3  }
0xaf: {  	[dreg:$0x3] =	wrdreg s5  }
0xb0: {  	[dreg:$0x4] =	wrdreg $0xC0  }
0xb1: {  	_ =	task [dreg:s7], $0x5FFFF  }
0xb2: {  	[dreg:$0x1] =	wrdreg $0xFFFFFFFF  }
0xb3: {  	[dreg:$0x0] =	wrdreg $0x60  }
0xb4: {  	[dreg:$0x2] =	wrdreg s24  }
0xb5: {  	[dreg:$0x3] =	wrdreg s16  }
0xb6: {  	[dreg:$0x4] =	wrdreg $0x0  }
0xb7: {  	[dreg:$0x5] =	wrdreg $0x9  }
0xb8: {  	_ =	task.clear_ibuf [dreg:s7], $0x6FFFF;
	_ =	strace $0x90000046  }
0xb9: {  	s29 =	simm.s32 $0x9;
	_ =	strace $0x80000048  }
0xba: {  	_ =	swait.ge [sflag:s29], $0x1  }
0xbb: {  	[sflag:s29] =	ssyncadd.s32 $0xFFFFFFFF  }
0xbc: {  	_ =	strace $0x90000048  }
0xbd: {  	_ =	sfence  }
0xbe: {  	s30 =	sld [smem:$0x0];
	_ =	sdelay $0x2  }
0xbf: {  	s31 =	sshll.u32 s1, $0xD;
	s1 =	sshrl.u32 s1, $0x2  }
0xc0: {  	s3 =	sand.u32 $0x4000, s31;
	s1 =	sadd.s32 s1, s30  }
0xc1: {  	s0 =	sor.u32 s3, s0;
	s1 =	sshll.u32 s1, $0x11  }
0xc2: {  	s0 =	sor.u32 s1, s0  }
0xc3: {  	s0 =	sadd.s32 $0x8F2B, s0  }
0xc4: {  	[sflag:s0] =	ssyncadd.remote.s32 $0x1  }
0xc5: {  	_ =	sfence.sel $0xFFFF  }
0xc6: {  	[dreg:$0x0] =	wrdreg $0xFFFFFFFF;
	(pc) =	sbr.abs _section_cstart, $3  }
0xc7: {  	[dreg:$0x1] =	wrdreg $0xFFFFFFFF  }
0xc8: {  	_ =	task.clear_ibuf [dreg:s7], $0x2FFFF;
	_ =	strace $0x9FFFFFFF  }
0xc9: {  	(tm) =	ssettm $0x7FFFFFFF  }
tec
execute0_lowered:
.L_overlay_start_1:
0x0: {  	(tag) =	ssettag $0x1  }
0x1: {  	s5 =	rddreg [dreg:$0x0]  }
0x2: {  	s7 =	rddreg [dreg:$0x1]  }
0x3: {  	s0 =	srdreg.scid;
	s2 =	rddreg [dreg:$0x2];
	s3 =	simm.s32 $0x0  }
0x4: {  	s11 =	simm.s32 $0x278;
	s12 =	simm.s32 $0x2A78;
	s13 =	simm.s32 $0x80  }
0x5: {  	s14 =	simm.s32 $0x0;
	s4 =	sand.u32 $0x1, s0;
	s0 =	stileid.u32  }
0x6: {  	[smem:$0x7FF] =	sst s3;
	s1 =	sshll.u32 s4, $0x4;
	s8 =	smul.u32 $0x278, s0  }
0x7: {  	s9 =	ssub.s32 $0x2, s4;
	s4 =	smul.u32 $0x2780, s4;
	s1 =	sor.u32 s0, s1  }
0x8: {  	s10 =	sshrl.u32 s9, $0x1;
	s6 =	smul.u32 $0x500, s1;
	s1 =	rddreg [dreg:$0x3]  }
0x9: {  	_ =	strace $0x80000047;
	s9 =	ssub.s32 s9, s10;
	s30 =	sadd.s32 s8, s4  }
0xa: {  	s4 =	sadd.s32 s8, s2;
	s10 =	simm.s32 $0x1;
	s31 =	sshrl.u32 s30, $0x3  }
0xb: {  	s8 =	smax.u32 s9, $0x1;
	s9 =	simm.s32 $0x5278;
	s6 =	sadd.s32 s6, s5  }
0xc: {  	v0 =	vimm.f32 $0.0e+00;
	s7 =	sadd.s32 s7, s31;
	s5 =	sadd.s32 $0xC200, s6;
	s6 =	sadd.s32 $0x2200, s6  }
.LBB2_1:
0xd: {  	[tilespmem:$0x5278] =	vst v0  }
0xe: {  	[tilespmem:$0x5288] =	vst v0  }
0xf: {  	[tilespmem:$0x5298] =	vst v0  }
0x10: {  	[tilespmem:$0x52A8] =	vst v0  }
0x11: {  	[tilespmem:$0x52B8] =	vst v0  }
0x12: {  	[tilespmem:$0x52C8] =	vst v0  }
0x13: {  	[tilespmem:$0x52D8] =	vst v0  }
0x14: {  	[tilespmem:$0x52E8] =	vst v0  }
0x15: {  	[tilespmem:$0x52F8] =	vst v0  }
0x16: {  	[tilespmem:$0x5308] =	vst v0  }
0x17: {  	[tilespmem:$0x5318] =	vst v0  }
0x18: {  	[tilespmem:$0x5328] =	vst v0  }
0x19: {  	[tilespmem:$0x5338] =	vst v0  }
0x1a: {  	[tilespmem:$0x5348] =	vst v0  }
0x1b: {  	[tilespmem:$0x5358] =	vst v0  }
0x1c: {  	[tilespmem:$0x5368] =	vst v0  }
0x1d: {  	[tilespmem:$0x5378] =	vst v0  }
0x1e: {  	[tilespmem:$0x5388] =	vst v0  }
0x1f: {  	[tilespmem:$0x5398] =	vst v0  }
0x20: {  	[tilespmem:$0x53A8] =	vst v0  }
0x21: {  	[tilespmem:$0x53B8] =	vst v0  }
0x22: {  	[tilespmem:$0x53C8] =	vst v0  }
0x23: {  	[tilespmem:$0x53D8] =	vst v0  }
0x24: {  	[tilespmem:$0x53E8] =	vst v0  }
0x25: {  	[tilespmem:$0x53F8] =	vst v0  }
0x26: {  	[tilespmem:$0x5408] =	vst v0  }
0x27: {  	[tilespmem:$0x5418] =	vst v0  }
0x28: {  	[tilespmem:$0x5428] =	vst v0  }
0x29: {  	[tilespmem:$0x5438] =	vst v0  }
0x2a: {  	[tilespmem:$0x5448] =	vst v0  }
0x2b: {  	[tilespmem:$0x5458] =	vst v0  }
0x2c: {  	[tilespmem:$0x5468] =	vst v0  }
0x2d: {  	[tilespmem:$0x5478] =	vst v0  }
0x2e: {  	[tilespmem:$0x5488] =	vst v0  }
0x2f: {  	[tilespmem:$0x5498] =	vst v0  }
0x30: {  	[tilespmem:$0x54A8] =	vst v0  }
0x31: {  	[tilespmem:$0x54B8] =	vst v0  }
0x32: {  	[tilespmem:$0x54C8] =	vst v0  }
0x33: {  	[tilespmem:$0x54D8] =	vst v0  }
0x34: {  	[spmem:s4] =	stream.linear.scatter [tilespmem:s9], [sflag:$0x1], $0x278, $0x38;
	[tilespmem:$0x54F8] =	vst v63  }
0x35: {  	_ =	swait.ge [sflag:s10], $0x278  }
0x36: {  	[sflag:s10] =	ssyncset.done $0x0  }
0x37: {  	[sflag:s10] =	ssyncadd.s32 $0xFFFFFD88  }
0x38: {  	[tilespmem:s11], [sflag:$0x1] =	stream.linear.gather [hbm4b:s5+s3], $0x2780, $0x38;
	[tilespmem:$0x54F8] =	vst v63  }
0x39: {  	_ =	swait.ge [sflag:s10], $0x2780  }
0x3a: {  	[sflag:s10] =	ssyncset.done $0x0  }
0x3b: {  	[sflag:s10] =	ssyncadd.s32 $0xFFFFD880  }
0x3c: {  	[tilespmem:s12], [sflag:$0x1] =	stream.linear.gather [hbm4b:s6+s3], $0x2780, $0x38;
	[tilespmem:$0x54F8] =	vst v63  }
0x3d: {  	_ =	swait.ge [sflag:s10], $0x2780  }
0x3e: {  	[sflag:s10] =	ssyncset.done $0x0  }
0x3f: {  	[sflag:s10] =	ssyncadd.s32 $0xFFFFD880  }
0x40: {  	s15 =	simm.s32 $0x2A78;
	s16 =	simm.s32 $0x278;
	[bflag:$0x0] =	sbarrier.arrive $0xFFFF  }
0x41: {  	[spmem:s2] =	stream.indirect.scatter.add.f32 [tilespmem:s15], [sflag:$0x1], $0x1, s16, s13, $0xb8;
	[tilespmem:$0x54F8] =	vst v63  }
0x42: {  	s15 =	simm.s32 $0x200;
	_ =	swait.ge [sflag:s10], $0x80  }
.LBB2_2:
0x43: {  	s16 =	sshra.s32 s15, $0x2  }
0x44: {  	[sflag:s10] =	ssyncset.done $0x0;
	p0 =	sne.s32 s15, $0x9C00;
	s17 =	sadd.s32 $0x2A78, s16  }
.Ltmp0:
0x45: {  	s16 =	sadd.s32 $0x278, s16;
	[sflag:s10] =	ssyncadd.s32 $0xFFFFFF80;
	(pc) =	sbr.rel @p0 .LBB2_2-.Ltmp0, $3  }
0x46: {  	[spmem:s2] =	stream.indirect.scatter.add.f32 [tilespmem:s17], [sflag:$0x1], $0x1, s16, s13, $0xb8;
	[tilespmem:$0x54F8] =	vst v63  }
0x47: {  	s15 =	sadd.s32 $0x200, s15;
	_ =	sdelay $0x1  }
0x48: {  	_ =	swait.ge [sflag:s10], $0x80  }
0x49: {  	[sflag:s10] =	ssyncset.done $0x0  }
0x4a: {  	[sflag:s10] =	ssyncadd.s32 $0xFFFFFF80  }
0x4b: {  	[bflag:$0x0] =	sbarrier.arrive $0xFFFF  }
0x4c: {  	[tilespmem:s9], [sflag:$0x1] =	stream.linear.gather [spmem:s4], $0x278, $0x38;
	[tilespmem:$0x54F8] =	vst v63  }
0x4d: {  	s14 =	sadd.s32 $0x1, s14;
	_ =	swait.ge [sflag:s10], $0x278  }
0x4e: {  	p0 =	sne.s32 s14, s8;
	[sflag:s10] =	ssyncset.done $0x0  }
.Ltmp1:
0x4f: {  	[sflag:s10] =	ssyncadd.s32 $0xFFFFFD88;
	(pc) =	sbr.rel @p0 .LBB2_1-.Ltmp1, $4  }
0x50: {  	[hbm4b:s7+s3] =	stream.linear.scatter [tilespmem:s9], [sflag:$0x1], $0x278, $0x38;
	[tilespmem:$0x54F8] =	vst v63  }
0x51: {  	_ =	swait.ge [sflag:s10], $0x278  }
0x52: {  	[sflag:s10] =	ssyncset.done $0x0  }
0x53: {  	[sflag:s10] =	ssyncadd.s32 $0xFFFFFD88  }
0x54: {  	_ =	sfence.sel $0x180000  }
0x55: {  	[bflag:$0x0] =	sbarrier.arrive $0xFFFF  }
0x56: {  	p0 =	sne.s32 s0, $0x0;
	_ =	strace $0x90000047  }
0x57: {  	s0 =	sadd.s32 @!p0 $0x100000, s1;
	[bflag:$0x2] =	sbarrier.arrive $0xFFFF  }
0x58: {  	[sflag:s0] =	ssyncadd.tile.s32 @!p0 $0x1;
	_ =	shalt  }
.Lfunc_end2:
_tile_overlayer_lowered:
.L_overlay_start_2:
0x59: {  	(tag) =	ssettag $0x2  }
0x5a: {  	s0 =	rddreg [dreg:$0x0];
	s2 =	stileid.u32  }
0x5b: {  	s1 =	rddreg [dreg:$0x1];
	p0 =	sne.s32 s2, $0x0  }
0x5c: {  	s3 =	rddreg [dreg:$0x2];
	[bflag:$0x3] =	sbarrier.arrive $0xFFFF;
	s2 =	simm.s32 @!p0 $0x1C01  }
0x5d: {  	[timem:s3], [sflag:s2] =	dma.local @!p0 [hbm:s0], s1  }
0x5e: {  	s0 =	simm.s32 @!p0 $0x1  }
0x5f: {  	_ =	swait.ge @!p0 [sflag:s0], s1  }
0x60: {  	s1 =	ssub.s32 @!p0 $0x0, s1;
	[sflag:s0] =	ssyncset.done @!p0 $0x0  }
0x61: {  	[sflag:s0] =	ssyncadd.s32 @!p0 s1  }
0x62: {  	[bflag:$0x3] =	sbarrier.arrive $0xFFFF  }
0x63: {  	_ =	shalt  }

// kernel: kernel.9.cloned.1.call-start
scs
__scs_entry_jumppad:
0x0: {  	(pc) =	sbr.rel $0x88, $3  }
0x1: {  	(tag) =	ssettag $0x0;
	lr =	simm.s32 $0x1  }
0x2: {  	[smem:$0x3F97] =	sst lr;
	_ =	strace $0xD0000000  }
0x3: {  	_ = 	snop  }
0x4: {  	_ = 	snop  }
0x5: {  	_ = 	snop  }
0x6: {  	_ = 	snop  }
0x7: {  	_ = 	snop  }
__scs_overlays_trampoline_lowered:
0x8: {  	[smem:$0x3FA6] =	sst s0  }
0x9: {  	[smem:$0x3FA7] =	sst s1  }
0xa: {  	[smem:$0x3FA8] =	sst s2  }
0xb: {  	[smem:$0x3FA9] =	sst s3  }
0xc: {  	[smem:$0x3FAA] =	sst s4  }
0xd: {  	[smem:$0x3FAB] =	sst s5  }
0xe: {  	[smem:$0x3FAC] =	sst s6  }
0xf: {  	[smem:$0x3FAD] =	sst s7  }
0x10: {  	[smem:$0x3FAE] =	sst s8  }
0x11: {  	[smem:$0x3FAF] =	sst s9;
	s0 =	simm.s32 @!p0 $0x0  }
0x12: {  	s1 =	sld [smem:$0x3F95];
	s0 =	simm.s32 @p0 $0x1  }
0x13: {  	[smem:$0x3FB0] =	sst s0;
	s0 =	simm.s32 @!p1 $0x0  }
0x14: {  	s2 =	sld [smem:$0x3F94];
	s0 =	simm.s32 @p1 $0x1  }
0x15: {  	[smem:$0x3FB1] =	sst s0;
	s0 =	simm.s32 @!p2 $0x0  }
0x16: {  	s3 =	sld [smem:$0x3FDB];
	s0 =	simm.s32 @p2 $0x1  }
0x17: {  	s4 =	simm.s32 $0x1BF5;
	[smem:$0x3FB3] =	sst s0  }
0x18: {  	s0 =	sld [smem:$0x3F96];
	_ =	swait.ge [sflag:s4], $0x0  }
0x19: {  	s7 =	sld [smem:$0x3F97]  }
0x1a: {  	s8 =	sadd.s32 $0xFFFFE003, lr  }
0x1b: {  	s9 =	sadd.s32 $0xFFFFFEF7, lr;
	s5 =	simm.s32 $0xFFFFFFFF;
	p2 =	slt.u32 s8, $0xFFFFF086  }
0x1c: {  	p1 =	slt.u32 s9, $0xF7A;
	s5 =	simm.s32 @!p2 $0x0  }
0x1d: {  	s5 =	simm.s32 @p1 $0x1;
	p0 =	seq.s32 s7, s2  }
0x1e: {  	s7 =	smul.u32 @!p0 $0xF7A, s2;
	p2 =	seq.s32 @!p0 s5, $0x0  }
0x1f: {  	s9 =	smul.u32 $0xF7A, s1;
	s8 =	simm.s32 @!p0 $0x1BF5;
	p2 =	por !p2, p0  }
0x20: {  	[sflag:s8] =	ssyncset.s32 @!p0 $0xFFFFF086;
	s6 =	sadd.s32 @!p0 s3, s7;
	s7 =	simm.s32 @!p0 $0x108  }
0x21: {  	s3 =	sadd.s32 s3, s9;
	s6 =	sadd.s32 @!p0 $0x88, s6;
	s7 =	simm.s32 @p2 $0x1082  }
0x22: {  	[simem:s7], [sflag:s8] =	dma.local @!p0 [hbm:s6], $0xF7A  }
0x23: {  	s9 =	sor.u32 $0xD0000000, s2;
	s6 =	simm.s32 $0x108;
	_ =	swait.ge @!p0 [sflag:s8], $0x0  }
0x24: {  	s3 =	sadd.s32 $0x88, s3;
	s6 =	simm.s32 @!p1 $0x1082;
	[sflag:s4] =	ssyncset.s32 $0xFFFFF086  }
0x25: {  	[simem:s6], [sflag:s4] =	dma.local [hbm:s3], $0xF7A  }
0x26: {  	[smem:$0x3F97] =	sst s1;
	(tag) =	ssettag s2;
	_ =	strace s9  }
0x27: {  	s1 =	sld [smem:$0x3FA7]  }
0x28: {  	s2 =	sld [smem:$0x3FA8]  }
0x29: {  	s4 =	sld [smem:$0x3FAA]  }
0x2a: {  	p0 =	seq.s32 s5, $0x0;
	s5 =	sld [smem:$0x3FAB]  }
0x2b: {  	s6 =	sld [smem:$0x3FAC]  }
0x2c: {  	s7 =	sld [smem:$0x3FAD]  }
0x2d: {  	s3 =	simm.s32 $0x108;
	s8 =	sld [smem:$0x3FAE]  }
0x2e: {  	s3 =	simm.s32 @!p0 $0x1082;
	s9 =	sld [smem:$0x3FAF]  }
0x2f: {  	lr =	sadd.s32 s0, s3;
	s0 =	sld [smem:$0x3FA6]  }
0x30: {  	s3 =	sld [smem:$0x3FA9]  }
0x31: {  	[smem:$0x3FB2] =	sst s10  }
0x32: {  	s10 =	sld [smem:$0x3FB0];
	_ =	sdelay $0x3  }
0x33: {  	p0 =	seq.s32 s10, $0x1;
	s10 =	sld [smem:$0x3FB2];
	_ =	sdelay $0x3  }
0x34: {  	[smem:$0x3FB2] =	sst s10  }
0x35: {  	s10 =	sld [smem:$0x3FB1];
	_ =	sdelay $0x3  }
0x36: {  	p1 =	seq.s32 s10, $0x1;
	s10 =	sld [smem:$0x3FB2];
	_ =	sdelay $0x3  }
0x37: {  	[smem:$0x3FB2] =	sst s10  }
0x38: {  	s10 =	sld [smem:$0x3FB3]  }
0x39: {  	_ = 	snop;
	(pc) =	sbr.ind lr, $3  }
0x3a: {  	_ = 	snop  }
0x3b: {  	_ = 	snop  }
0x3c: {  	p2 =	seq.s32 s10, $0x1;
	s10 =	sld [smem:$0x3FB2]  }
0x3d: {  	_ =	shalt  }
0x3e: {  	_ =	shalt  }
0x3f: {  	_ =	shalt  }
0x40: {  	_ =	shalt  }
0x41: {  	_ =	shalt  }
0x42: {  	_ =	shalt  }
0x43: {  	_ =	shalt  }
0x44: {  	_ =	shalt  }
0x45: {  	_ =	shalt  }
0x46: {  	_ =	shalt  }
0x47: {  	_ =	shalt  }
0x48: {  	_ =	shalt  }
0x49: {  	_ =	shalt  }
0x4a: {  	_ =	shalt  }
0x4b: {  	_ =	shalt  }
0x4c: {  	_ =	shalt  }
0x4d: {  	_ =	shalt  }
0x4e: {  	_ =	shalt  }
0x4f: {  	_ =	shalt  }
0x50: {  	_ =	shalt  }
0x51: {  	_ =	shalt  }
0x52: {  	_ =	shalt  }
0x53: {  	_ =	shalt  }
0x54: {  	_ =	shalt  }
0x55: {  	_ =	shalt  }
0x56: {  	_ =	shalt  }
0x57: {  	_ =	shalt  }
0x58: {  	_ =	shalt  }
0x59: {  	_ =	shalt  }
0x5a: {  	_ =	shalt  }
0x5b: {  	_ =	shalt  }
0x5c: {  	_ =	shalt  }
0x5d: {  	_ =	shalt  }
0x5e: {  	_ =	shalt  }
0x5f: {  	_ =	shalt  }
0x60: {  	_ =	shalt  }
0x61: {  	_ =	shalt  }
0x62: {  	_ =	shalt  }
0x63: {  	_ =	shalt  }
0x64: {  	_ =	shalt  }
0x65: {  	_ =	shalt  }
0x66: {  	_ =	shalt  }
0x67: {  	_ =	shalt  }
0x68: {  	_ =	shalt  }
0x69: {  	_ =	shalt  }
0x6a: {  	_ =	shalt  }
0x6b: {  	_ =	shalt  }
0x6c: {  	_ =	shalt  }
0x6d: {  	_ =	shalt  }
0x6e: {  	_ =	shalt  }
0x6f: {  	_ =	shalt  }
0x70: {  	_ =	shalt  }
0x71: {  	_ =	shalt  }
0x72: {  	_ =	shalt  }
0x73: {  	_ =	shalt  }
0x74: {  	_ =	shalt  }
0x75: {  	_ =	shalt  }
0x76: {  	_ =	shalt  }
0x77: {  	_ =	shalt  }
0x78: {  	_ =	shalt  }
0x79: {  	_ =	shalt  }
0x7a: {  	_ =	shalt  }
0x7b: {  	_ =	shalt  }
0x7c: {  	_ =	shalt  }
0x7d: {  	_ =	shalt  }
0x7e: {  	_ =	shalt  }
0x7f: {  	_ =	shalt  }
0x80: {  	_ =	shalt  }
0x81: {  	_ =	shalt  }
0x82: {  	_ =	shalt  }
0x83: {  	_ =	shalt  }
0x84: {  	_ =	shalt  }
0x85: {  	_ =	shalt  }
0x86: {  	_ =	shalt  }
0x87: {  	_ =	shalt  }
.Lfunc_end0:
.L_simem_size_0:
called_computation.1_lowered:
.L_overlay_start_0:
0x88: {  	s2 =	sld [smem:$0x3FD9]  }
0x89: {  	s3 =	sld [smem:$0x3FFE];
	_ =	sdelay $0x1  }
0x8a: {  	s1 =	srdreg.scid  }
0x8b: {  	s0 =	sand.u32 $0x1, s1  }
0x8c: {  	s14 =	sshll.u32 s0, $0xA;
	s2 =	sadd.s32 s3, s2  }
0x8d: {  	s2 =	sadd.s32 s2, s14  }
0x8e: {  	[smem:$0x3FBE] =	sst s2  }
0x8f: {  	_ = 	snop  }
0x90: {  	s2 =	sld [smem:$0x3FD0];
	_ =	sdelay $0x2  }
0x91: {  	s15 =	simm.s32 $0xA;
	s4 =	simm.s32 $0x10  }
0x92: {  	[smem:s4], [sflag:s15] =	dma.local [hbm:s2], $0x1  }
0x93: {  	_ =	swait.eq [sflag:s15], $0x1  }
0x94: {  	[sflag:s15] =	ssyncset.done $0x0  }
0x95: {  	s16 =	sld [smem:$0x10];
	[sflag:s15] =	ssyncadd.s32 $0xFFFFFFFF  }
0x96: {  	s17 =	sld [smem:$0x11];
	(tm) =	ssettm $0x1  }
0x97: {  	s18 =	sld [smem:$0x3FFB];
	_ =	sdelay $0x3  }
0x98: {  	_ =	strace s18  }
0x99: {  	s4 =	sld [smem:$0x3FFC];
	_ =	sdelay $0x3  }
0x9a: {  	_ =	strace s4  }
0x9b: {  	s4 =	sld [smem:$0x3FFD];
	_ =	sdelay $0x3  }
0x9c: {  	_ =	strace s4  }
0x9d: {  	_ =	strace $0x8FFFFFFF  }
0x9e: {  	s19 =	sld [smem:$0x3FDB];
	_ =	sdelay $0x1  }
0x9f: {  	s5 =	simm.s32 $_scs_section_size  }
0xa0: {  	s6 =	simm.s32 $_size__tile_overlayer_lowered;
	s7 =	simm.s32 $_tile_overlayer_lowered  }
0xa1: {  	s22 =	simm.s32 $0x1BFF;
	s21 =	sshll.u32 s7, $0x1;
	s4 =	sadd.s32 s5, s19  }
0xa2: {  	s8 =	simm.s32 $0x0;
	s20 =	sshll.u32 s6, $0x1;
	s6 =	sadd.s32 s21, s4  }
0xa3: {  	[timem:s8], [sflag:s22] =	dma.local [hbm:s6], s20  }
0xa4: {  	_ =	swait.ge [sflag:s22], s20  }
0xa5: {  	s5 =	ssub.s32 $0x0, s20;
	[sflag:s22] =	ssyncset.done $0x0  }
0xa6: {  	[sflag:s22] =	ssyncadd.s32 s5;
	_ =	sdelay $0x1  }
0xa7: {  	s23 =	simm.s32 $0x1B8B  }
0xa8: {  	_ =	swait.ge [sflag:s23], $0x1  }
0xa9: {  	[sflag:s23] =	ssyncset.done $0x0  }
0xaa: {  	s25 =	simm.s32 $0x1B8E;
	s24 =	sld [smem:$0x3FFE];
	[sflag:s23] =	ssyncadd.s32 $0xFFFFFFFF  }
0xab: {  	s26 =	simm.s32 $execute0_lowered;
	[smem:$0x3FD2] =	sst s25  }
0xac: {  	s6 =	sshll.u32 s26, $0x1;
	_ =	strace $0x80000049;
	[dreg:$0x1] =	wrdreg $0xFFFFFFFF  }
0xad: {  	s28 =	simm.s32 $_size_execute0_lowered;
	s4 =	sadd.s32 s4, s6;
	[dreg:$0x0] =	wrdreg $0x0  }
0xae: {  	s6 =	sshll.u32 s28, $0x1;
	[dreg:$0x2] =	wrdreg s4  }
0xaf: {  	[dreg:$0x3] =	wrdreg s6  }
0xb0: {  	[dreg:$0x4] =	wrdreg $0xC0  }
0xb1: {  	_ =	task [dreg:s8], $0x5FFFF  }
0xb2: {  	[dreg:$0x1] =	wrdreg $0xFFFFFFFF  }
0xb3: {  	[dreg:$0x0] =	wrdreg $0x60  }
0xb4: {  	[dreg:$0x2] =	wrdreg s24  }
0xb5: {  	[dreg:$0x3] =	wrdreg s17  }
0xb6: {  	[dreg:$0x4] =	wrdreg s16  }
0xb7: {  	[dreg:$0x5] =	wrdreg $0x0  }
0xb8: {  	[dreg:$0x6] =	wrdreg $0x9  }
0xb9: {  	_ =	task.clear_ibuf [dreg:s8], $0x7FFFF;
	_ =	strace $0x90000049  }
0xba: {  	s29 =	simm.s32 $0x9;
	_ =	strace $0x8000004B  }
0xbb: {  	_ =	swait.ge [sflag:s29], $0x1  }
0xbc: {  	[sflag:s29] =	ssyncadd.s32 $0xFFFFFFFF  }
0xbd: {  	_ =	strace $0x9000004B  }
0xbe: {  	_ =	sfence  }
0xbf: {  	s30 =	sld [smem:$0x0];
	_ =	sdelay $0x2  }
0xc0: {  	s31 =	sshll.u32 s1, $0xD;
	s1 =	sshrl.u32 s1, $0x2  }
0xc1: {  	s3 =	sand.u32 $0x4000, s31;
	s1 =	sadd.s32 s1, s30  }
0xc2: {  	s0 =	sor.u32 s3, s0;
	s1 =	sshll.u32 s1, $0x11  }
0xc3: {  	s0 =	sor.u32 s1, s0  }
0xc4: {  	s0 =	sadd.s32 $0x8F2B, s0  }
0xc5: {  	[sflag:s0] =	ssyncadd.remote.s32 $0x1  }
0xc6: {  	_ =	sfence.sel $0xFFFF  }
0xc7: {  	[dreg:$0x0] =	wrdreg $0xFFFFFFFF;
	(pc) =	sbr.abs _section_cstart, $3  }
0xc8: {  	[dreg:$0x1] =	wrdreg $0xFFFFFFFF  }
0xc9: {  	_ =	task.clear_ibuf [dreg:s8], $0x2FFFF;
	_ =	strace $0x9FFFFFFF  }
0xca: {  	(tm) =	ssettm $0x7FFFFFFF  }
0xcb: {  	_ =	shalt  }
tec
execute0_lowered:
.L_overlay_start_1:
0x0: {  	(tag) =	ssettag $0x1  }
0x1: {  	s0 =	rddreg [dreg:$0x0]  }
0x2: {  	s1 =	rddreg [dreg:$0x2]  }
0x3: {  	s2 =	rddreg [dreg:$0x3];
	s3 =	simm.s32 $0x0;
	s4 =	srdreg.scid  }
0x4: {  	s11 =	stileid.u32;
	s28 =	simm.s32 $0x80;
	s29 =	simm.s32 $0x13C80  }
0x5: {  	s30 =	simm.s32 $0x13D00;
	s31 =	simm.s32 $0x1;
	[smem:$0x7FF] =	sst s3  }
0x6: {  	s5 =	sadd.s32 $0x16200, s0;
	s6 =	sadd.s32 $0xC200, s0;
	s9 =	smul.u32 $0x4F000, s11  }
0x7: {  	s4 =	sand.u32 $0x1, s4;
	s7 =	sadd.s32 $0x2200, s0;
	s12 =	smul.u32 $0x278, s11  }
0x8: {  	s8 =	sadd.s32 $0x20200, s0;
	_ =	strace $0x8000004A;
	s10 =	ssub.s32 $0x2, s4  }
0x9: {  	s13 =	smul.u32 $0x2780, s4;
	s4 =	sshll.u32 s4, $0x4;
	s25 =	sshrl.u32 s10, $0x1  }
0xa: {  	s26 =	sadd.s32 $0x200, s12;
	s4 =	sor.u32 s11, s4;
	s9 =	sshrl.u32 s9, $0x2  }
0xb: {  	s19 =	sadd.s32 $0x80, s12;
	s22 =	sadd.s32 $0x100, s12;
	s0 =	ssub.s32 s10, s25  }
0xc: {  	s14 =	sadd.s32 s13, s26;
	s9 =	sadd.s32 s9, s2;
	s10 =	sshll.u32 s26, $0x7  }
0xd: {  	s11 =	smul.u32 $0x2800, s4;
	s17 =	sadd.s32 s13, s12;
	s21 =	sadd.s32 s13, s19  }
0xe: {  	s4 =	sshll.u32 s19, $0x7;
	s23 =	sshll.u32 s22, $0x7;
	s24 =	sadd.s32 s13, s22  }
0xf: {  	s25 =	sadd.s32 $0x180, s12;
	s14 =	sshll.u32 s14, $0x4;
	s0 =	smax.u32 s0, $0x1  }
0x10: {  	s10 =	sadd.s32 s10, s2;
	s16 =	sadd.s32 $0x4000, s9;
	[dreg:$0x6] =	wrdreg s0  }
0x11: {  	s18 =	sadd.s32 $0x8000, s9;
	s20 =	sadd.s32 $0xC000, s9;
	[dreg:$0x7] =	wrdreg s16  }
0x12: {  	s12 =	sshll.u32 s25, $0x7;
	s15 =	sadd.s32 s1, s14;
	[dreg:$0x8] =	wrdreg s18  }
0x13: {  	s0 =	sshll.u32 s17, $0x4;
	[dreg:$0x9] =	wrdreg s20;
	s18 =	sadd.s32 s4, s2  }
0x14: {  	s20 =	sadd.s32 s23, s2;
	s4 =	sadd.s32 s13, s25;
	s22 =	sadd.s32 s12, s2  }
0x15: {  	s25 =	simm.s32 $0x2;
	s17 =	sadd.s32 s1, s0;
	s0 =	sshll.u32 s21, $0x4  }
0x16: {  	[dreg:$0x5] =	wrdreg s15;
	s26 =	sshll.u32 s4, $0x4;
	s19 =	sadd.s32 s1, s0  }
0x17: {  	s0 =	sshll.u32 s24, $0x4;
	s23 =	sadd.s32 s1, s26;
	s24 =	simm.s32 $0x13D80  }
0x18: {  	s26 =	simm.s32 $0x13C00;
	s21 =	sadd.s32 s1, s0;
	s0 =	simm.s32 $0x0  }
.LBB2_1:
0x19: {  	s1 =	rddreg [dreg:$0x1]  }
0x1a: {  	[tilespmem:s24], [sflag:$0x2] =	stream.linear.gather [hbm4b:s1+s3], $0x4000, $0x38;
	[tilespmem:$0x17D80] =	vst v63  }
0x1b: {  	_ =	swait.ge [sflag:s25], $0x4000  }
0x1c: {  	[sflag:s25] =	ssyncset.done $0x0  }
0x1d: {  	[sflag:s25] =	ssyncadd.s32 $0xFFFFC000  }
0x1e: {  	[spmem:s9] =	stream.linear.scatter [tilespmem:s24], [sflag:$0x2], $0x4000, $0x38;
	[tilespmem:$0x17D80] =	vst v63  }
0x1f: {  	_ =	swait.ge [sflag:s25], $0x4000  }
0x20: {  	[sflag:s25] =	ssyncset.done $0x0  }
0x21: {  	s14 =	rddreg [dreg:$0x7];
	[sflag:s25] =	ssyncadd.s32 $0xFFFFC000  }
0x22: {  	[spmem:s14] =	stream.linear.scatter [tilespmem:s24], [sflag:$0x2], $0x4000, $0x38;
	[tilespmem:$0x17D80] =	vst v63  }
0x23: {  	_ =	swait.ge [sflag:s25], $0x4000  }
0x24: {  	[sflag:s25] =	ssyncset.done $0x0  }
0x25: {  	s15 =	rddreg [dreg:$0x8];
	[sflag:s25] =	ssyncadd.s32 $0xFFFFC000  }
0x26: {  	[spmem:s15] =	stream.linear.scatter [tilespmem:s24], [sflag:$0x2], $0x4000, $0x38;
	[tilespmem:$0x17D80] =	vst v63  }
0x27: {  	_ =	swait.ge [sflag:s25], $0x4000  }
0x28: {  	[sflag:s25] =	ssyncset.done $0x0  }
0x29: {  	s16 =	rddreg [dreg:$0x9];
	[sflag:s25] =	ssyncadd.s32 $0xFFFFC000  }
0x2a: {  	[spmem:s16] =	stream.linear.scatter [tilespmem:s24], [sflag:$0x2], $0x4000, $0x38;
	[tilespmem:$0x17D80] =	vst v63  }
0x2b: {  	_ =	swait.ge [sflag:s25], $0x4000  }
0x2c: {  	[sflag:s25] =	ssyncset.done $0x0  }
0x2d: {  	[sflag:s25] =	ssyncadd.s32 $0xFFFFC000  }
0x2e: {  	[spmem:s10] =	stream.linear.scatter [tilespmem:s24], [sflag:$0x2], $0x3C00, $0x38;
	[tilespmem:$0x17D80] =	vst v63  }
0x2f: {  	_ =	swait.ge [sflag:s25], $0x3C00  }
0x30: {  	[sflag:s25] =	ssyncset.done $0x0  }
0x31: {  	[sflag:s25] =	ssyncadd.s32 $0xFFFFC400  }
0x32: {  	s4 =	simm.s32 $0x0;
	[bflag:$0x0] =	sbarrier.arrive $0xFFFF  }
.LBB2_2:
0x33: {  	s1 =	sshll.u32 s4, $0x7  }
0x34: {  	s12 =	sand.u32 $0x3C00, s1  }
0x35: {  	s1 =	sand.u32 $0x380, s1;
	s12 =	sadd.s32 s11, s12  }
0x36: {  	s1 =	sor.u32 s1, s12  }
0x37: {  	s12 =	sshrl.u32 s1, $0x3  }
0x38: {  	s1 =	simm.s32 $0x0;
	s13 =	sadd.s32 s5, s12  }
0x39: {  	[tilespmem:s26], [sflag:$0x2] =	stream.linear.gather [hbm4b:s13+s1], $0x80, $0x38;
	[tilespmem:$0x17D80] =	vst v63  }
0x3a: {  	_ =	swait.ge [sflag:s25], $0x80  }
0x3b: {  	[sflag:s25] =	ssyncset.done $0x0  }
0x3c: {  	[sflag:s25] =	ssyncadd.s32 $0xFFFFFF80  }
0x3d: {  	[tilespmem:s24], [sflag:$0x1] =	stream.indirect.gather [hbm4b:s8+s28], $0x80, s26, s28, $0xb8;
	[tilespmem:$0x17D80] =	vst v63  }
0x3e: {  	s16 =	sadd.s32 s6, s12  }
0x3f: {  	[tilespmem:s29], [sflag:$0x2] =	stream.linear.gather [hbm4b:s16+s1], $0x80, $0x38;
	[tilespmem:$0x17D80] =	vst v63  }
0x40: {  	_ =	swait.ge [sflag:s25], $0x80  }
0x41: {  	[sflag:s25] =	ssyncset.done $0x0  }
0x42: {  	s12 =	sadd.s32 s7, s12;
	[sflag:s25] =	ssyncadd.s32 $0xFFFFFF80  }
0x43: {  	[tilespmem:s30], [sflag:$0x2] =	stream.linear.gather [hbm4b:s12+s1], $0x80, $0x38;
	[tilespmem:$0x17D80] =	vst v63  }
0x44: {  	_ =	swait.ge [sflag:s25], $0x80  }
0x45: {  	[sflag:s25] =	ssyncset.done $0x0  }
0x46: {  	[sflag:s25] =	ssyncadd.s32 $0xFFFFFF80  }
0x47: {  	_ =	swait.ge [sflag:s31], $0x4000  }
0x48: {  	[sflag:s31] =	ssyncset.done $0x0  }
0x49: {  	s13 =	simm.s32 $0x0;
	s16 =	simm.s32 $0x13DC0;
	[sflag:s31] =	ssyncadd.s32 $0xFFFFC000  }
.LBB2_3:
0x4a: {  	s12 =	sshll.u32 s13, $0x4  }
0x4b: {  	v1 =	vld [tilespmem:s12+$0x13D00];
	_ =	sdelay $0x1  }
0x4c: {  	v5 =	vld [tilespmem:s16+$0xFFFFFFC0]  }
0x4d: {  	v7 =	vld [tilespmem:s16+$0xFFFFFFD0]  }
0x4e: {  	v6 =	vld [tilespmem:s16+$0xFFFFFFE0];
	v0 =	vmov s1  }
0x4f: {  	v3 =	vld [tilespmem:s16+$0x0];
	v0 =	vperm.xlane v1, v0  }
0x50: {  	v4 =	vld [tilespmem:s16+$0x10]  }
0x51: {  	v2 =	vld [tilespmem:s16+$0x20];
	v8 =	vmul.f32 v5, v0  }
0x52: {  	s15 =	simm.s32 $0x1;
	s14 =	smov.u32 s16;
	s12 =	smov.u32 s16;
	v7 =	vmul.f32 v7, v0;
	v5 =	vld [tilespmem:s16+$0x30]  }
.LBB2_4:
0x53: {  	p0 =	sne.s32 s15, $0xF;
	[tilespmem:s12+$0xFFFFFFC0] =	vst v8;
	v6 =	vmul.f32 v6, v0;
	v8 =	vld [tilespmem:s12+$0xFFFFFFF0];
	s14 =	sadd.s32 $0x80, s14  }
0x54: {  	v9 =	vld [tilespmem:s14+$0xFFFFFFC0];
	[tilespmem:s12+$0xFFFFFFD0] =	vst v7;
	v3 =	vmul.f32 v3, v0  }
0x55: {  	v7 =	vld [tilespmem:s14+$0xFFFFFFD0];
	[tilespmem:s12+$0xFFFFFFE0] =	vst v6;
	v4 =	vmul.f32 v4, v0  }
.Ltmp0:
0x56: {  	v10 =	vmov s15;
	v6 =	vld [tilespmem:s14+$0xFFFFFFE0];
	[tilespmem:s12+$0x0] =	vst v3;
	v2 =	vmul.f32 v2, v0;
	(pc) =	sbr.rel @p0 .LBB2_4-.Ltmp0, $4  }
0x57: {  	v10 =	vperm.xlane v1, v10;
	v3 =	vld [tilespmem:s14+$0x0];
	[tilespmem:s12+$0x10] =	vst v4;
	v5 =	vmul.f32 v5, v0  }
0x58: {  	v4 =	vld [tilespmem:s14+$0x10];
	v11 =	vmul.f32 v8, v0;
	[tilespmem:s12+$0x20] =	vst v2  }
0x59: {  	v0 =	vmov v10;
	v8 =	vmul.f32 v9, v10;
	v2 =	vld [tilespmem:s14+$0x20];
	[tilespmem:s12+$0x30] =	vst v5  }
0x5a: {  	s15 =	sadd.s32 $0x1, s15;
	v7 =	vmul.f32 v7, v0;
	v5 =	vld [tilespmem:s14+$0x30];
	[tilespmem:s12+$0xFFFFFFF0] =	vst v11;
	s12 =	smov.u32 s14  }
0x5b: {  	[tilespmem:s12+$0xFFFFFFC0] =	vst v8;
	v1 =	vmul.f32 v6, v0;
	v60 =	vld [tilespmem:s12+$0xFFFFFFF0]  }
0x5c: {  	s13 =	sadd.s32 $0x1, s13;
	[tilespmem:s12+$0xFFFFFFD0] =	vst v7;
	v3 =	vmul.f32 v3, v0  }
0x5d: {  	p0 =	sne.s32 s13, $0x8;
	[tilespmem:s12+$0xFFFFFFE0] =	vst v1;
	v61 =	vmul.f32 v4, v0  }
.Ltmp1:
0x5e: {  	[tilespmem:s12+$0x0] =	vst v3;
	v2 =	vmul.f32 v2, v0;
	(pc) =	sbr.rel @p0 .LBB2_3-.Ltmp1, $4  }
0x5f: {  	[tilespmem:s12+$0x10] =	vst v61;
	v62 =	vmul.f32 v5, v0  }
0x60: {  	v63 =	vmul.f32 v60, v0;
	[tilespmem:s12+$0x20] =	vst v2  }
0x61: {  	[tilespmem:s12+$0x30] =	vst v62  }
0x62: {  	s16 =	sadd.s32 $0x800, s16;
	[tilespmem:s12+$0xFFFFFFF0] =	vst v63  }
0x63: {  	s4 =	sadd.s32 $0x1, s4  }
0x64: {  	p0 =	sne.s32 s4, $0x4F  }
.Ltmp2:
0x65: {  	_ = 	snop;
	(pc) =	sbr.rel @p0 .LBB2_2-.Ltmp2, $4  }
0x66: {  	[spmem:s2] =	stream.indirect.scatter.add.f32 [tilespmem:s24], [sflag:$0x2], $0x80, s29, s28, $0xb8;
	[tilespmem:$0x17D80] =	vst v63  }
0x67: {  	_ =	swait.ge [sflag:s25], $0x4000  }
0x68: {  	[sflag:s25] =	ssyncset.done $0x0  }
0x69: {  	[sflag:s25] =	ssyncadd.s32 $0xFFFFC000  }
0x6a: {  	[bflag:$0x0] =	sbarrier.arrive $0xFFFF  }
0x6b: {  	[tilespmem:s24], [sflag:$0x2] =	stream.linear.gather [spmem:s9], $0x4000, $0x38;
	[tilespmem:$0x17D80] =	vst v63  }
0x6c: {  	_ =	swait.ge [sflag:s25], $0x4000  }
0x6d: {  	[sflag:s25] =	ssyncset.done $0x0  }
0x6e: {  	[sflag:s25] =	ssyncadd.s32 $0xFFFFC000  }
0x6f: {  	[hbm4b:s17+s3] =	stream.linear.scatter [tilespmem:s24], [sflag:$0x2], $0x4000, $0x38;
	[tilespmem:$0x17D80] =	vst v63  }
0x70: {  	_ =	swait.ge [sflag:s25], $0x4000  }
0x71: {  	[sflag:s25] =	ssyncset.done $0x0  }
0x72: {  	[sflag:s25] =	ssyncadd.s32 $0xFFFFC000  }
0x73: {  	[tilespmem:s24], [sflag:$0x2] =	stream.linear.gather [spmem:s18], $0x4000, $0x38;
	[tilespmem:$0x17D80] =	vst v63  }
0x74: {  	_ =	swait.ge [sflag:s25], $0x4000  }
0x75: {  	[sflag:s25] =	ssyncset.done $0x0  }
0x76: {  	[sflag:s25] =	ssyncadd.s32 $0xFFFFC000  }
0x77: {  	[hbm4b:s19+s3] =	stream.linear.scatter [tilespmem:s24], [sflag:$0x2], $0x4000, $0x38;
	[tilespmem:$0x17D80] =	vst v63  }
0x78: {  	_ =	swait.ge [sflag:s25], $0x4000  }
0x79: {  	[sflag:s25] =	ssyncset.done $0x0  }
0x7a: {  	[sflag:s25] =	ssyncadd.s32 $0xFFFFC000  }
0x7b: {  	[tilespmem:s24], [sflag:$0x2] =	stream.linear.gather [spmem:s20], $0x4000, $0x38;
	[tilespmem:$0x17D80] =	vst v63  }
0x7c: {  	_ =	swait.ge [sflag:s25], $0x4000  }
0x7d: {  	[sflag:s25] =	ssyncset.done $0x0  }
0x7e: {  	[sflag:s25] =	ssyncadd.s32 $0xFFFFC000  }
0x7f: {  	[hbm4b:s21+s3] =	stream.linear.scatter [tilespmem:s24], [sflag:$0x2], $0x4000, $0x38;
	[tilespmem:$0x17D80] =	vst v63  }
0x80: {  	_ =	swait.ge [sflag:s25], $0x4000  }
0x81: {  	[sflag:s25] =	ssyncset.done $0x0  }
0x82: {  	[sflag:s25] =	ssyncadd.s32 $0xFFFFC000  }
0x83: {  	[tilespmem:s24], [sflag:$0x2] =	stream.linear.gather [spmem:s22], $0x4000, $0x38;
	[tilespmem:$0x17D80] =	vst v63  }
0x84: {  	_ =	swait.ge [sflag:s25], $0x4000  }
0x85: {  	[sflag:s25] =	ssyncset.done $0x0  }
0x86: {  	[sflag:s25] =	ssyncadd.s32 $0xFFFFC000  }
0x87: {  	[hbm4b:s23+s3] =	stream.linear.scatter [tilespmem:s24], [sflag:$0x2], $0x4000, $0x38;
	[tilespmem:$0x17D80] =	vst v63  }
0x88: {  	_ =	swait.ge [sflag:s25], $0x4000  }
0x89: {  	[sflag:s25] =	ssyncset.done $0x0  }
0x8a: {  	[sflag:s25] =	ssyncadd.s32 $0xFFFFC000  }
0x8b: {  	[tilespmem:s24], [sflag:$0x2] =	stream.linear.gather [spmem:s10], $0x3C00, $0x38;
	[tilespmem:$0x17D80] =	vst v63  }
0x8c: {  	_ =	swait.ge [sflag:s25], $0x3C00  }
0x8d: {  	[sflag:s25] =	ssyncset.done $0x0  }
0x8e: {  	s1 =	rddreg [dreg:$0x5];
	[sflag:s25] =	ssyncadd.s32 $0xFFFFC400  }
0x8f: {  	[hbm4b:s1+s3] =	stream.linear.scatter [tilespmem:s24], [sflag:$0x2], $0x3C00, $0x38;
	[tilespmem:$0x17D80] =	vst v63  }
0x90: {  	_ =	swait.ge [sflag:s25], $0x3C00  }
0x91: {  	s0 =	sadd.s32 $0x1, s0;
	s16 =	rddreg [dreg:$0x6]  }
0x92: {  	p0 =	sne.s32 s0, s16  }
.Ltmp3:
0x93: {  	_ = 	snop;
	(pc) =	sbr.rel @p0 .LBB2_1-.Ltmp3, $3  }
0x94: {  	_ =	sdelay $0x1  }
0x95: {  	[sflag:s25] =	ssyncset.done $0x0  }
0x96: {  	[sflag:s25] =	ssyncadd.s32 $0xFFFFC400  }
0x97: {  	_ =	sfence.sel $0x180000  }
0x98: {  	[bflag:$0x0] =	sbarrier.arrive $0xFFFF  }
0x99: {  	_ =	strace $0x9000004A  }
0x9a: {  	s0 =	stileid.u32;
	[bflag:$0x2] =	sbarrier.arrive $0xFFFF  }
0x9b: {  	p0 =	sne.s32 s0, $0x0;
	s0 =	rddreg [dreg:$0x4]  }
0x9c: {  	s0 =	sadd.s32 @!p0 $0x100000, s0  }
0x9d: {  	[sflag:s0] =	ssyncadd.tile.s32 @!p0 $0x1;
	_ =	shalt  }
.Lfunc_end2:
_tile_overlayer_lowered:
.L_overlay_start_2:
0x9e: {  	(tag) =	ssettag $0x2  }
0x9f: {  	s0 =	rddreg [dreg:$0x0];
	s2 =	stileid.u32  }
0xa0: {  	s1 =	rddreg [dreg:$0x1];
	p0 =	sne.s32 s2, $0x0  }
0xa1: {  	s3 =	rddreg [dreg:$0x2];
	[bflag:$0x3] =	sbarrier.arrive $0xFFFF;
	s2 =	simm.s32 @!p0 $0x1C02  }
0xa2: {  	[timem:s3], [sflag:s2] =	dma.local @!p0 [hbm:s0], s1  }
0xa3: {  	s0 =	simm.s32 @!p0 $0x2  }
0xa4: {  	_ =	swait.ge @!p0 [sflag:s0], s1  }
0xa5: {  	s1 =	ssub.s32 @!p0 $0x0, s1;
	[sflag:s0] =	ssyncset.done @!p0 $0x0  }
0xa6: {  	[sflag:s0] =	ssyncadd.s32 @!p0 s1  }
0xa7: {  	[bflag:$0x3] =	sbarrier.arrive $0xFFFF  }
0xa8: {  	_ =	shalt  }

</sc_bundles>
